<compile_context>
chip_gen: v7x
topology: tpu7x:2x2x1
jax: 0.10.2.dev20260603
libtpu: 0.0.44.dev20260713+nightly
codegen_flags: <defaults>
</compile_context>

<pallas_src>
import functools

import jax
import jax.numpy as jnp
from jax import lax
from jax.experimental import pallas as pl
from jax.experimental.pallas import tpu as pltpu
from jax.experimental.pallas import tpu_sc as plsc

N = 10000
E = 320000
D = 128

NC = 2
NS = 16
NW = NC * NS
K = 128
ET = E + N
M = -(-ET // (NW * K))
EP = NW * M * K
NP = 10112
RPT = NP // NS

_mesh = plsc.VectorSubcoreMesh(core_axis_name="c", subcore_axis_name="s")


@functools.partial(
    pl.kernel,
    mesh=_mesh,
    out_type=jax.ShapeDtypeStruct((NC, NP, D), jnp.float32),
    scratch_types=[
        pltpu.VMEM((M, K), jnp.int32),
        pltpu.VMEM((K, D), jnp.float32),
        pltpu.VMEM_SHARED((NP, D), jnp.float32),
    ],
)
def _sc_degree(d_hbm, ones_hbm, z_hbm, out_hbm, d_v, ones_v, acc):
    c = lax.axis_index("c")
    t = lax.axis_index("s")
    w = t * NC + c
    pltpu.sync_copy(d_hbm.at[w], d_v)
    pltpu.sync_copy(ones_hbm, ones_v)
    pltpu.sync_copy(z_hbm, acc.at[pl.ds(t * RPT, RPT)])
    plsc.subcore_barrier()

    def body(j, carry):
        pltpu.sync_copy(ones_v, acc.at[d_v.at[j]], add=True)
        return carry

    lax.fori_loop(0, M, body, 0)
    plsc.subcore_barrier()
    pltpu.sync_copy(acc.at[pl.ds(t * RPT, RPT)], out_hbm.at[c, pl.ds(t * RPT, RPT)])


@functools.partial(
    pl.kernel,
    mesh=_mesh,
    out_type=jax.ShapeDtypeStruct((NC, NP, D), jnp.float32),
    scratch_types=[
        pltpu.VMEM((M, K), jnp.int32),
        pltpu.VMEM((M, K), jnp.int32),
        pltpu.VMEM((K, D), jnp.float32),
        pltpu.VMEM_SHARED((NP, D), jnp.float32),
        pltpu.SemaphoreType.DMA,
    ],
)
def _sc_aggregate(g_hbm, s_hbm, d_hbm, z_hbm, out_hbm, s_v, d_v, rows_v, acc, sem):
    c = lax.axis_index("c")
    t = lax.axis_index("s")
    w = t * NC + c
    pltpu.sync_copy(s_hbm.at[w], s_v)
    pltpu.sync_copy(d_hbm.at[w], d_v)
    pltpu.sync_copy(z_hbm, acc.at[pl.ds(t * RPT, RPT)])
    plsc.subcore_barrier()

    def body(j, carry):
        pltpu.async_copy(g_hbm.at[s_v.at[j]], rows_v, sem).wait()
        pltpu.sync_copy(rows_v, acc.at[d_v.at[j]], add=True)
        return carry

    lax.fori_loop(0, M, body, 0)
    plsc.subcore_barrier()
    pltpu.sync_copy(acc.at[pl.ds(t * RPT, RPT)], out_hbm.at[c, pl.ds(t * RPT, RPT)])


def _tc1_body(x_ref, degp_ref, w1_ref, t1_ref, invs_ref):
    deg = degp_ref[0][:, 0:1] + degp_ref[1][:, 0:1]
    invs = lax.rsqrt(jnp.maximum(deg, 1.0))
    invs_ref[...] = invs
    t1_ref[...] = jnp.dot(x_ref[...], w1_ref[...],
                          preferred_element_type=jnp.float32) * invs


def _tc_mid_body(p_ref, invs_ref, b_ref, w_ref, t_ref):
    agg = p_ref[0] + p_ref[1]
    invs = invs_ref[...]
    h = jax.nn.relu(agg * invs + b_ref[...])
    rows = lax.broadcasted_iota(jnp.int32, (NP, 1), 0)
    h = jnp.where(rows < N, h, 0.0)
    t_ref[...] = jnp.dot(h, w_ref[...], preferred_element_type=jnp.float32) * invs


def _tc_final_body(p_ref, invs_ref, b3_ref, wd_ref, bd_ref, emb_ref, rec_ref):
    emb = (p_ref[0] + p_ref[1]) * invs_ref[...] + b3_ref[...]
    emb_ref[...] = emb
    rec_ref[...] = jax.nn.sigmoid(
        jnp.dot(emb, wd_ref[...], preferred_element_type=jnp.float32) + bd_ref[...])


def kernel(x, edge_index, W1, b1, W2, b2, W3, b3, Wd, bd):
    pad = EP - ET
    loop = jnp.arange(N, dtype=jnp.int32)
    padv = jnp.full((pad,), N, jnp.int32)
    s_arr = jnp.concatenate([edge_index[0], loop, padv]).reshape(NW, M, K)
    d_arr = jnp.concatenate([edge_index[1], loop, padv]).reshape(NW, M, K)
    xp = jnp.pad(x, ((0, NP - N), (0, 0)))

    onesD = jnp.ones((K, D), jnp.float32)
    zD = jnp.zeros((RPT, D), jnp.float32)

    degp = _sc_degree(d_arr, onesD, zD)

    t1, invs = pl.pallas_call(
        _tc1_body,
        out_shape=(jax.ShapeDtypeStruct((NP, D), jnp.float32),
                   jax.ShapeDtypeStruct((NP, 1), jnp.float32)),
    )(xp, degp, W1)

    p1 = _sc_aggregate(t1, s_arr, d_arr, zD)
    t2 = pl.pallas_call(
        _tc_mid_body,
        out_shape=jax.ShapeDtypeStruct((NP, D), jnp.float32),
    )(p1, invs, b1, W2)

    p2 = _sc_aggregate(t2, s_arr, d_arr, zD)
    t3 = pl.pallas_call(
        _tc_mid_body,
        out_shape=jax.ShapeDtypeStruct((NP, D), jnp.float32),
    )(p2, invs, b2, W3)

    p3 = _sc_aggregate(t3, s_arr, d_arr, zD)
    emb, rec = pl.pallas_call(
        _tc_final_body,
        out_shape=(jax.ShapeDtypeStruct((NP, D), jnp.float32),
                   jax.ShapeDtypeStruct((NP, D), jnp.float32)),
    )(p3, invs, b3, Wd, bd)

    return emb[:N], rec[:N]

# --- scband reference (transcript-rebuilt; emitter-appended) ---
"""Pipeline reference for scband-graph-auto-encoder-61229053772022 (READ-ONLY COPY).

The authoritative reference and input builder live on the scoring server;
editing this copy changes nothing except your own understanding.
"""

import jax, jax.numpy as jnp
import numpy as np

N = 10000
E = 320000
D = 128
DEC = 128


def setup_inputs(seed: int = 0) -> dict:
    key = jax.random.key(seed)
    ks = jax.random.split(key, 12)
    x = jax.random.normal(ks[0], (N, D), dtype=jnp.float32)
    edge_index = jax.random.randint(ks[1], (2, E), 0, N, dtype=jnp.int32)
    s = 0.05
    W1 = jax.random.normal(ks[2], (D, D), dtype=jnp.float32) * s
    b1 = jnp.zeros((D,), jnp.float32)
    W2 = jax.random.normal(ks[3], (D, D), dtype=jnp.float32) * s
    b2 = jnp.zeros((D,), jnp.float32)
    W3 = jax.random.normal(ks[4], (D, D), dtype=jnp.float32) * s
    b3 = jnp.zeros((D,), jnp.float32)
    Wd = jax.random.normal(ks[5], (D, DEC), dtype=jnp.float32) * s
    bd = jnp.zeros((DEC,), jnp.float32)
    return {"x": x, "edge_index": edge_index, "W1": W1, "b1": b1, "W2": W2, "b2": b2, "W3": W3, "b3": b3, "Wd": Wd, "bd": bd}


def _gcn_conv(h, s, d, deg_is, deg_id, W, b):
    # GCNConv with self-loops and symmetric normalization:
    # out = scatter_add_{e:(s->d)} norm_e * (h[s] @ W) + b
    h = h @ W
    norm = deg_is * deg_id
    msg = h[s] * norm[:, None]
    out = jnp.zeros((N, h.shape[1]), h.dtype).at[d].add(msg)
    return out + b


def reference(x, edge_index, W1, b1, W2, b2, W3, b3, Wd, bd):
    loop = jnp.arange(N, dtype=edge_index.dtype)
    s = jnp.concatenate([edge_index[0], loop])
    d = jnp.concatenate([edge_index[1], loop])
    deg = jnp.zeros((N,), jnp.float32).at[d].add(1.0)
    inv_sqrt = jax.lax.rsqrt(jnp.maximum(deg, 1.0))
    deg_is = inv_sqrt[s]
    deg_id = inv_sqrt[d]
    h1 = jax.nn.relu(_gcn_conv(x, s, d, deg_is, deg_id, W1, b1))
    h2 = jax.nn.relu(_gcn_conv(h1, s, d, deg_is, deg_id, W2, b2))
    emb = _gcn_conv(h2, s, d, deg_is, deg_id, W3, b3)
    rec = jax.nn.sigmoid(emb @ Wd + bd)
    return (emb, rec)

if __name__ == "__main__":
    import jax
    _d = setup_inputs()
    print(jax.jit(kernel)(*tuple(_d.values())))

</pallas_src>

<mosaic_0001>
#map = affine_map<(d0, d1) -> (0, 0)>
#map1 = affine_map<(d0, d1) -> (0, 0, 0)>
module attributes {stable_mosaic.version = 14 : i64} {
  func.func @_sc_aggregate(%arg0: i32, %arg1: i32, %arg2: memref<10112x128xf32, #tpu.memory_space<hbm>>, %arg3: memref<32x81x128xi32, #tpu.memory_space<hbm>>, %arg4: memref<32x81x128xi32, #tpu.memory_space<hbm>>, %arg5: memref<632x128xf32, #tpu.memory_space<hbm>>, %arg6: memref<2x10112x128xf32, #tpu.memory_space<hbm>>, %arg7: memref<81x128xi32, #tpu.memory_space<vmem>>, %arg8: memref<81x128xi32, #tpu.memory_space<vmem>>, %arg9: memref<128x128xf32, #tpu.memory_space<vmem>>, %arg10: memref<10112x128xf32, #tpu.memory_space<vmem_shared>>, %arg11: memref<!tpu.dma_semaphore, #tpu.memory_space<semaphore_mem>>) attributes {dimension_semantics = [#tpu.dimension_semantics<core_parallel>, #tpu.dimension_semantics<subcore_parallel>], iteration_bounds = array<i64: 2, 16>, scalar_prefetch = 0 : i64, scratch_operands = 5 : i64, tpu.core_type = #tpu.core_type<sc_vector_subcore>, window_params = [{transform_indices = #map}, {transform_indices = #map1}, {transform_indices = #map1}, {transform_indices = #map}, {transform_indices = #map1}]} {
    %mul3A = arith.constant 2 : i32
    %mul3A_0 = arith.muli %arg1, %mul3A : i32
    %add3A = arith.addi %mul3A_0, %arg0 : i32
    "tpu.region"() ({
      %run_scoped3A = tpu.sem_alloc : memref<!tpu.dma_semaphore, #tpu.memory_space<semaphore_mem>>
      %dma_start3A = arith.constant 0 : i32
      %dma_start3A_13 = arith.constant 0 : i32
      %dma_start3A_14 = tpu.memref_slice %arg3[%add3A, %dma_start3A, %dma_start3A_13] : memref<32x81x128xi32, #tpu.memory_space<hbm>> -> memref<1x81x128xi32, #tpu.memory_space<hbm>>
      %dma_start3A_15 = tpu.memref_squeeze %dma_start3A_14 : memref<1x81x128xi32, #tpu.memory_space<hbm>> -> memref<81x128xi32, #tpu.memory_space<hbm>>
      %dma_start3A_16 = arith.constant 0 : i32
      %dma_start3A_17 = arith.constant 0 : i32
      %dma_start3A_18 = tpu.memref_slice %arg3[%add3A, %dma_start3A_16, %dma_start3A_17] : memref<32x81x128xi32, #tpu.memory_space<hbm>> -> memref<1x81x128xi32, #tpu.memory_space<hbm>>
      %dma_start3A_19 = tpu.memref_squeeze %dma_start3A_18 : memref<1x81x128xi32, #tpu.memory_space<hbm>> -> memref<81x128xi32, #tpu.memory_space<hbm>>
      tpu.enqueue_dma source(%dma_start3A_19 : memref<81x128xi32, #tpu.memory_space<hbm>>) target(%arg7 : memref<81x128xi32, #tpu.memory_space<vmem>>) target_semaphore(%run_scoped3A : memref<!tpu.dma_semaphore, #tpu.memory_space<semaphore_mem>>)
      %dma_wait3A = arith.constant 0 : i32
      %dma_wait3A_20 = arith.constant 0 : i32
      %dma_wait3A_21 = tpu.memref_slice %arg3[%add3A, %dma_wait3A, %dma_wait3A_20] : memref<32x81x128xi32, #tpu.memory_space<hbm>> -> memref<1x81x128xi32, #tpu.memory_space<hbm>>
      %dma_wait3A_22 = tpu.memref_squeeze %dma_wait3A_21 : memref<1x81x128xi32, #tpu.memory_space<hbm>> -> memref<81x128xi32, #tpu.memory_space<hbm>>
      %dma_wait3A_23 = arith.constant 0 : i32
      %dma_wait3A_24 = arith.constant 0 : i32
      %dma_wait3A_25 = tpu.memref_slice %arg3[%add3A, %dma_wait3A_23, %dma_wait3A_24] : memref<32x81x128xi32, #tpu.memory_space<hbm>> -> memref<1x81x128xi32, #tpu.memory_space<hbm>>
      %dma_wait3A_26 = tpu.memref_squeeze %dma_wait3A_25 : memref<1x81x128xi32, #tpu.memory_space<hbm>> -> memref<81x128xi32, #tpu.memory_space<hbm>>
      tpu.wait_dma2 semaphore(%run_scoped3A : memref<!tpu.dma_semaphore, #tpu.memory_space<semaphore_mem>>) src(%dma_wait3A_26 : memref<81x128xi32, #tpu.memory_space<hbm>>) dst(%arg7 : memref<81x128xi32, #tpu.memory_space<vmem>>)
      tpu.yield
    }) : () -> ()
    "tpu.region"() ({
      %run_scoped3A = tpu.sem_alloc : memref<!tpu.dma_semaphore, #tpu.memory_space<semaphore_mem>>
      %dma_start3A = arith.constant 0 : i32
      %dma_start3A_13 = arith.constant 0 : i32
      %dma_start3A_14 = tpu.memref_slice %arg4[%add3A, %dma_start3A, %dma_start3A_13] : memref<32x81x128xi32, #tpu.memory_space<hbm>> -> memref<1x81x128xi32, #tpu.memory_space<hbm>>
      %dma_start3A_15 = tpu.memref_squeeze %dma_start3A_14 : memref<1x81x128xi32, #tpu.memory_space<hbm>> -> memref<81x128xi32, #tpu.memory_space<hbm>>
      %dma_start3A_16 = arith.constant 0 : i32
      %dma_start3A_17 = arith.constant 0 : i32
      %dma_start3A_18 = tpu.memref_slice %arg4[%add3A, %dma_start3A_16, %dma_start3A_17] : memref<32x81x128xi32, #tpu.memory_space<hbm>> -> memref<1x81x128xi32, #tpu.memory_space<hbm>>
      %dma_start3A_19 = tpu.memref_squeeze %dma_start3A_18 : memref<1x81x128xi32, #tpu.memory_space<hbm>> -> memref<81x128xi32, #tpu.memory_space<hbm>>
      tpu.enqueue_dma source(%dma_start3A_19 : memref<81x128xi32, #tpu.memory_space<hbm>>) target(%arg8 : memref<81x128xi32, #tpu.memory_space<vmem>>) target_semaphore(%run_scoped3A : memref<!tpu.dma_semaphore, #tpu.memory_space<semaphore_mem>>)
      %dma_wait3A = arith.constant 0 : i32
      %dma_wait3A_20 = arith.constant 0 : i32
      %dma_wait3A_21 = tpu.memref_slice %arg4[%add3A, %dma_wait3A, %dma_wait3A_20] : memref<32x81x128xi32, #tpu.memory_space<hbm>> -> memref<1x81x128xi32, #tpu.memory_space<hbm>>
      %dma_wait3A_22 = tpu.memref_squeeze %dma_wait3A_21 : memref<1x81x128xi32, #tpu.memory_space<hbm>> -> memref<81x128xi32, #tpu.memory_space<hbm>>
      %dma_wait3A_23 = arith.constant 0 : i32
      %dma_wait3A_24 = arith.constant 0 : i32
      %dma_wait3A_25 = tpu.memref_slice %arg4[%add3A, %dma_wait3A_23, %dma_wait3A_24] : memref<32x81x128xi32, #tpu.memory_space<hbm>> -> memref<1x81x128xi32, #tpu.memory_space<hbm>>
      %dma_wait3A_26 = tpu.memref_squeeze %dma_wait3A_25 : memref<1x81x128xi32, #tpu.memory_space<hbm>> -> memref<81x128xi32, #tpu.memory_space<hbm>>
      tpu.wait_dma2 semaphore(%run_scoped3A : memref<!tpu.dma_semaphore, #tpu.memory_space<semaphore_mem>>) src(%dma_wait3A_26 : memref<81x128xi32, #tpu.memory_space<hbm>>) dst(%arg8 : memref<81x128xi32, #tpu.memory_space<vmem>>)
      tpu.yield
    }) : () -> ()
    %mul3A_1 = arith.constant 632 : i32
    %mul3A_2 = arith.muli %arg1, %mul3A_1 : i32
    "tpu.region"() ({
      %run_scoped3A = tpu.sem_alloc : memref<!tpu.dma_semaphore, #tpu.memory_space<semaphore_mem>>
      %dma_start3A = arith.constant 0 : i32
      %dma_start3A_13 = tpu.memref_slice %arg10[%mul3A_2, %dma_start3A] : memref<10112x128xf32, #tpu.memory_space<vmem_shared>> -> memref<632x128xf32, #tpu.memory_space<vmem_shared>>
      tpu.enqueue_dma source(%arg5 : memref<632x128xf32, #tpu.memory_space<hbm>>) target(%dma_start3A_13 : memref<632x128xf32, #tpu.memory_space<vmem_shared>>) target_semaphore(%run_scoped3A : memref<!tpu.dma_semaphore, #tpu.memory_space<semaphore_mem>>)
      %dma_wait3A = arith.constant 0 : i32
      %dma_wait3A_14 = tpu.memref_slice %arg10[%mul3A_2, %dma_wait3A] : memref<10112x128xf32, #tpu.memory_space<vmem_shared>> -> memref<632x128xf32, #tpu.memory_space<vmem_shared>>
      tpu.wait_dma2 semaphore(%run_scoped3A : memref<!tpu.dma_semaphore, #tpu.memory_space<semaphore_mem>>) src(%arg5 : memref<632x128xf32, #tpu.memory_space<hbm>>) dst(%dma_wait3A_14 : memref<632x128xf32, #tpu.memory_space<vmem_shared>>)
      tpu.yield
    }) : () -> ()
    %barrier3A = arith.constant 0 : index
    tpu.barrier barrier_id(%barrier3A)
    %scan3A = arith.constant 0 : i32
    %scan3A_3 = arith.constant 0 : i32
    %scan3A_4 = arith.constant 81 : i32
    %scan3A_5 = arith.addi %scan3A_3, %scan3A_4 : i32
    %scan3A_6 = arith.constant 1 : i32
    scf.for %scan3A_13 = %scan3A_3 to %scan3A_5 step %scan3A_6  : i32 {
      %dma_start3A = arith.constant 0 : i32
      %dma_start3A_14 = tpu.memref_slice %arg7[%scan3A_13, %dma_start3A] : memref<81x128xi32, #tpu.memory_space<vmem>> -> memref<1x128xi32, #tpu.memory_space<vmem>>
      %dma_start3A_15 = tpu.memref_squeeze %dma_start3A_14 : memref<1x128xi32, #tpu.memory_space<vmem>> -> memref<128xi32, #tpu.memory_space<vmem>>
      %dma_start3A_16 = arith.constant 0 : i32
      %dma_start3A_17 = arith.constant 0 : i32
      %dma_start3A_18 = tpu.memref_slice %arg2[%dma_start3A_16, %dma_start3A_17] : memref<10112x128xf32, #tpu.memory_space<hbm>> -> memref<10112x128xf32, #tpu.memory_space<hbm>>
      tpu.enqueue_indirect_dma source(%dma_start3A_18 : memref<10112x128xf32, #tpu.memory_space<hbm>>) target(%arg9 : memref<128x128xf32, #tpu.memory_space<vmem>>) offsets(%dma_start3A_15 : memref<128xi32, #tpu.memory_space<vmem>>) semaphore(%arg11 : memref<!tpu.dma_semaphore, #tpu.memory_space<semaphore_mem>>)
      %dma_wait3A = arith.constant 0 : i32
      %dma_wait3A_19 = tpu.memref_slice %arg7[%scan3A_13, %dma_wait3A] : memref<81x128xi32, #tpu.memory_space<vmem>> -> memref<1x128xi32, #tpu.memory_space<vmem>>
      %dma_wait3A_20 = tpu.memref_squeeze %dma_wait3A_19 : memref<1x128xi32, #tpu.memory_space<vmem>> -> memref<128xi32, #tpu.memory_space<vmem>>
      %dma_wait3A_21 = arith.constant 0 : i32
      %dma_wait3A_22 = arith.constant 0 : i32
      %dma_wait3A_23 = tpu.memref_slice %arg2[%dma_wait3A_21, %dma_wait3A_22] : memref<10112x128xf32, #tpu.memory_space<hbm>> -> memref<10112x128xf32, #tpu.memory_space<hbm>>
      tpu.wait_indirect_dma semaphore(%arg11 : memref<!tpu.dma_semaphore, #tpu.memory_space<semaphore_mem>>) src(%dma_wait3A_23 : memref<10112x128xf32, #tpu.memory_space<hbm>>) dst(%arg9 : memref<128x128xf32, #tpu.memory_space<vmem>>)
      "tpu.region"() ({
        %run_scoped3A = tpu.sem_alloc : memref<!tpu.dma_semaphore, #tpu.memory_space<semaphore_mem>>
        %dma_start3A_24 = arith.constant 0 : i32
        %dma_start3A_25 = tpu.memref_slice %arg8[%scan3A_13, %dma_start3A_24] : memref<81x128xi32, #tpu.memory_space<vmem>> -> memref<1x128xi32, #tpu.memory_space<vmem>>
        %dma_start3A_26 = tpu.memref_squeeze %dma_start3A_25 : memref<1x128xi32, #tpu.memory_space<vmem>> -> memref<128xi32, #tpu.memory_space<vmem>>
        %dma_start3A_27 = arith.constant 0 : i32
        %dma_start3A_28 = arith.constant 0 : i32
        %dma_start3A_29 = tpu.memref_slice %arg10[%dma_start3A_27, %dma_start3A_28] : memref<10112x128xf32, #tpu.memory_space<vmem_shared>> -> memref<10112x128xf32, #tpu.memory_space<vmem_shared>>
        tpu.enqueue_indirect_dma source(%arg9 : memref<128x128xf32, #tpu.memory_space<vmem>>) target(%dma_start3A_29 : memref<10112x128xf32, #tpu.memory_space<vmem_shared>>) offsets(%dma_start3A_26 : memref<128xi32, #tpu.memory_space<vmem>>) semaphore(%run_scoped3A : memref<!tpu.dma_semaphore, #tpu.memory_space<semaphore_mem>>) {add = true}
        %dma_wait3A_30 = arith.constant 0 : i32
        %dma_wait3A_31 = tpu.memref_slice %arg8[%scan3A_13, %dma_wait3A_30] : memref<81x128xi32, #tpu.memory_space<vmem>> -> memref<1x128xi32, #tpu.memory_space<vmem>>
        %dma_wait3A_32 = tpu.memref_squeeze %dma_wait3A_31 : memref<1x128xi32, #tpu.memory_space<vmem>> -> memref<128xi32, #tpu.memory_space<vmem>>
        %dma_wait3A_33 = arith.constant 0 : i32
        %dma_wait3A_34 = arith.constant 0 : i32
        %dma_wait3A_35 = tpu.memref_slice %arg10[%dma_wait3A_33, %dma_wait3A_34] : memref<10112x128xf32, #tpu.memory_space<vmem_shared>> -> memref<10112x128xf32, #tpu.memory_space<vmem_shared>>
        tpu.wait_indirect_dma semaphore(%run_scoped3A : memref<!tpu.dma_semaphore, #tpu.memory_space<semaphore_mem>>) src(%arg9 : memref<128x128xf32, #tpu.memory_space<vmem>>) dst(%dma_wait3A_35 : memref<10112x128xf32, #tpu.memory_space<vmem_shared>>)
        tpu.yield
      }) : () -> ()
    }
    %scan3A_7 = arith.constant 81 : i32
    %barrier3A_8 = arith.constant 0 : index
    tpu.barrier barrier_id(%barrier3A_8)
    %mul3A_9 = arith.constant 632 : i32
    %mul3A_10 = arith.muli %arg1, %mul3A_9 : i32
    %mul3A_11 = arith.constant 632 : i32
    %mul3A_12 = arith.muli %arg1, %mul3A_11 : i32
    "tpu.region"() ({
      %run_scoped3A = tpu.sem_alloc : memref<!tpu.dma_semaphore, #tpu.memory_space<semaphore_mem>>
      %dma_start3A = arith.constant 0 : i32
      %dma_start3A_13 = tpu.memref_slice %arg6[%arg0, %mul3A_12, %dma_start3A] : memref<2x10112x128xf32, #tpu.memory_space<hbm>> -> memref<1x632x128xf32, #tpu.memory_space<hbm>>
      %dma_start3A_14 = tpu.memref_squeeze %dma_start3A_13 : memref<1x632x128xf32, #tpu.memory_space<hbm>> -> memref<632x128xf32, #tpu.memory_space<hbm>>
      %dma_start3A_15 = arith.constant 0 : i32
      %dma_start3A_16 = tpu.memref_slice %arg10[%mul3A_10, %dma_start3A_15] : memref<10112x128xf32, #tpu.memory_space<vmem_shared>> -> memref<632x128xf32, #tpu.memory_space<vmem_shared>>
      tpu.enqueue_dma source(%dma_start3A_16 : memref<632x128xf32, #tpu.memory_space<vmem_shared>>) target(%dma_start3A_14 : memref<632x128xf32, #tpu.memory_space<hbm>>) target_semaphore(%run_scoped3A : memref<!tpu.dma_semaphore, #tpu.memory_space<semaphore_mem>>)
      %dma_wait3A = arith.constant 0 : i32
      %dma_wait3A_17 = tpu.memref_slice %arg6[%arg0, %mul3A_12, %dma_wait3A] : memref<2x10112x128xf32, #tpu.memory_space<hbm>> -> memref<1x632x128xf32, #tpu.memory_space<hbm>>
      %dma_wait3A_18 = tpu.memref_squeeze %dma_wait3A_17 : memref<1x632x128xf32, #tpu.memory_space<hbm>> -> memref<632x128xf32, #tpu.memory_space<hbm>>
      %dma_wait3A_19 = arith.constant 0 : i32
      %dma_wait3A_20 = tpu.memref_slice %arg10[%mul3A_10, %dma_wait3A_19] : memref<10112x128xf32, #tpu.memory_space<vmem_shared>> -> memref<632x128xf32, #tpu.memory_space<vmem_shared>>
      tpu.wait_dma2 semaphore(%run_scoped3A : memref<!tpu.dma_semaphore, #tpu.memory_space<semaphore_mem>>) src(%dma_wait3A_20 : memref<632x128xf32, #tpu.memory_space<vmem_shared>>) dst(%dma_wait3A_18 : memref<632x128xf32, #tpu.memory_space<hbm>>)
      tpu.yield
    }) : () -> ()
    return
  }
}

#map = affine_map<(d0, d1) -> (0, 0, 0)>
#map1 = affine_map<(d0, d1) -> (0, 0)>
module attributes {stable_mosaic.version = 14 : i64} {
  func.func @_sc_degree(%arg0: i32, %arg1: i32, %arg2: memref<32x81x128xi32, #tpu.memory_space<hbm>>, %arg3: memref<128x128xf32, #tpu.memory_space<hbm>>, %arg4: memref<632x128xf32, #tpu.memory_space<hbm>>, %arg5: memref<2x10112x128xf32, #tpu.memory_space<hbm>>, %arg6: memref<81x128xi32, #tpu.memory_space<vmem>>, %arg7: memref<128x128xf32, #tpu.memory_space<vmem>>, %arg8: memref<10112x128xf32, #tpu.memory_space<vmem_shared>>) attributes {dimension_semantics = [#tpu.dimension_semantics<core_parallel>, #tpu.dimension_semantics<subcore_parallel>], iteration_bounds = array<i64: 2, 16>, scalar_prefetch = 0 : i64, scratch_operands = 3 : i64, tpu.core_type = #tpu.core_type<sc_vector_subcore>, window_params = [{transform_indices = #map}, {transform_indices = #map1}, {transform_indices = #map1}, {transform_indices = #map}]} {
    %mul3A = arith.constant 2 : i32
    %mul3A_0 = arith.muli %arg1, %mul3A : i32
    %add3A = arith.addi %mul3A_0, %arg0 : i32
    "tpu.region"() ({
      %run_scoped3A = tpu.sem_alloc : memref<!tpu.dma_semaphore, #tpu.memory_space<semaphore_mem>>
      %dma_start3A = arith.constant 0 : i32
      %dma_start3A_13 = arith.constant 0 : i32
      %dma_start3A_14 = tpu.memref_slice %arg2[%add3A, %dma_start3A, %dma_start3A_13] : memref<32x81x128xi32, #tpu.memory_space<hbm>> -> memref<1x81x128xi32, #tpu.memory_space<hbm>>
      %dma_start3A_15 = tpu.memref_squeeze %dma_start3A_14 : memref<1x81x128xi32, #tpu.memory_space<hbm>> -> memref<81x128xi32, #tpu.memory_space<hbm>>
      %dma_start3A_16 = arith.constant 0 : i32
      %dma_start3A_17 = arith.constant 0 : i32
      %dma_start3A_18 = tpu.memref_slice %arg2[%add3A, %dma_start3A_16, %dma_start3A_17] : memref<32x81x128xi32, #tpu.memory_space<hbm>> -> memref<1x81x128xi32, #tpu.memory_space<hbm>>
      %dma_start3A_19 = tpu.memref_squeeze %dma_start3A_18 : memref<1x81x128xi32, #tpu.memory_space<hbm>> -> memref<81x128xi32, #tpu.memory_space<hbm>>
      tpu.enqueue_dma source(%dma_start3A_19 : memref<81x128xi32, #tpu.memory_space<hbm>>) target(%arg6 : memref<81x128xi32, #tpu.memory_space<vmem>>) target_semaphore(%run_scoped3A : memref<!tpu.dma_semaphore, #tpu.memory_space<semaphore_mem>>)
      %dma_wait3A = arith.constant 0 : i32
      %dma_wait3A_20 = arith.constant 0 : i32
      %dma_wait3A_21 = tpu.memref_slice %arg2[%add3A, %dma_wait3A, %dma_wait3A_20] : memref<32x81x128xi32, #tpu.memory_space<hbm>> -> memref<1x81x128xi32, #tpu.memory_space<hbm>>
      %dma_wait3A_22 = tpu.memref_squeeze %dma_wait3A_21 : memref<1x81x128xi32, #tpu.memory_space<hbm>> -> memref<81x128xi32, #tpu.memory_space<hbm>>
      %dma_wait3A_23 = arith.constant 0 : i32
      %dma_wait3A_24 = arith.constant 0 : i32
      %dma_wait3A_25 = tpu.memref_slice %arg2[%add3A, %dma_wait3A_23, %dma_wait3A_24] : memref<32x81x128xi32, #tpu.memory_space<hbm>> -> memref<1x81x128xi32, #tpu.memory_space<hbm>>
      %dma_wait3A_26 = tpu.memref_squeeze %dma_wait3A_25 : memref<1x81x128xi32, #tpu.memory_space<hbm>> -> memref<81x128xi32, #tpu.memory_space<hbm>>
      tpu.wait_dma2 semaphore(%run_scoped3A : memref<!tpu.dma_semaphore, #tpu.memory_space<semaphore_mem>>) src(%dma_wait3A_26 : memref<81x128xi32, #tpu.memory_space<hbm>>) dst(%arg6 : memref<81x128xi32, #tpu.memory_space<vmem>>)
      tpu.yield
    }) : () -> ()
    "tpu.region"() ({
      %run_scoped3A = tpu.sem_alloc : memref<!tpu.dma_semaphore, #tpu.memory_space<semaphore_mem>>
      tpu.enqueue_dma source(%arg3 : memref<128x128xf32, #tpu.memory_space<hbm>>) target(%arg7 : memref<128x128xf32, #tpu.memory_space<vmem>>) target_semaphore(%run_scoped3A : memref<!tpu.dma_semaphore, #tpu.memory_space<semaphore_mem>>)
      tpu.wait_dma2 semaphore(%run_scoped3A : memref<!tpu.dma_semaphore, #tpu.memory_space<semaphore_mem>>) src(%arg3 : memref<128x128xf32, #tpu.memory_space<hbm>>) dst(%arg7 : memref<128x128xf32, #tpu.memory_space<vmem>>)
      tpu.yield
    }) : () -> ()
    %mul3A_1 = arith.constant 632 : i32
    %mul3A_2 = arith.muli %arg1, %mul3A_1 : i32
    "tpu.region"() ({
      %run_scoped3A = tpu.sem_alloc : memref<!tpu.dma_semaphore, #tpu.memory_space<semaphore_mem>>
      %dma_start3A = arith.constant 0 : i32
      %dma_start3A_13 = tpu.memref_slice %arg8[%mul3A_2, %dma_start3A] : memref<10112x128xf32, #tpu.memory_space<vmem_shared>> -> memref<632x128xf32, #tpu.memory_space<vmem_shared>>
      tpu.enqueue_dma source(%arg4 : memref<632x128xf32, #tpu.memory_space<hbm>>) target(%dma_start3A_13 : memref<632x128xf32, #tpu.memory_space<vmem_shared>>) target_semaphore(%run_scoped3A : memref<!tpu.dma_semaphore, #tpu.memory_space<semaphore_mem>>)
      %dma_wait3A = arith.constant 0 : i32
      %dma_wait3A_14 = tpu.memref_slice %arg8[%mul3A_2, %dma_wait3A] : memref<10112x128xf32, #tpu.memory_space<vmem_shared>> -> memref<632x128xf32, #tpu.memory_space<vmem_shared>>
      tpu.wait_dma2 semaphore(%run_scoped3A : memref<!tpu.dma_semaphore, #tpu.memory_space<semaphore_mem>>) src(%arg4 : memref<632x128xf32, #tpu.memory_space<hbm>>) dst(%dma_wait3A_14 : memref<632x128xf32, #tpu.memory_space<vmem_shared>>)
      tpu.yield
    }) : () -> ()
    %barrier3A = arith.constant 0 : index
    tpu.barrier barrier_id(%barrier3A)
    %scan3A = arith.constant 0 : i32
    %scan3A_3 = arith.constant 0 : i32
    %scan3A_4 = arith.constant 81 : i32
    %scan3A_5 = arith.addi %scan3A_3, %scan3A_4 : i32
    %scan3A_6 = arith.constant 1 : i32
    scf.for %scan3A_13 = %scan3A_3 to %scan3A_5 step %scan3A_6  : i32 {
      "tpu.region"() ({
        %run_scoped3A = tpu.sem_alloc : memref<!tpu.dma_semaphore, #tpu.memory_space<semaphore_mem>>
        %dma_start3A = arith.constant 0 : i32
        %dma_start3A_14 = tpu.memref_slice %arg6[%scan3A_13, %dma_start3A] : memref<81x128xi32, #tpu.memory_space<vmem>> -> memref<1x128xi32, #tpu.memory_space<vmem>>
        %dma_start3A_15 = tpu.memref_squeeze %dma_start3A_14 : memref<1x128xi32, #tpu.memory_space<vmem>> -> memref<128xi32, #tpu.memory_space<vmem>>
        %dma_start3A_16 = arith.constant 0 : i32
        %dma_start3A_17 = arith.constant 0 : i32
        %dma_start3A_18 = tpu.memref_slice %arg8[%dma_start3A_16, %dma_start3A_17] : memref<10112x128xf32, #tpu.memory_space<vmem_shared>> -> memref<10112x128xf32, #tpu.memory_space<vmem_shared>>
        tpu.enqueue_indirect_dma source(%arg7 : memref<128x128xf32, #tpu.memory_space<vmem>>) target(%dma_start3A_18 : memref<10112x128xf32, #tpu.memory_space<vmem_shared>>) offsets(%dma_start3A_15 : memref<128xi32, #tpu.memory_space<vmem>>) semaphore(%run_scoped3A : memref<!tpu.dma_semaphore, #tpu.memory_space<semaphore_mem>>) {add = true}
        %dma_wait3A = arith.constant 0 : i32
        %dma_wait3A_19 = tpu.memref_slice %arg6[%scan3A_13, %dma_wait3A] : memref<81x128xi32, #tpu.memory_space<vmem>> -> memref<1x128xi32, #tpu.memory_space<vmem>>
        %dma_wait3A_20 = tpu.memref_squeeze %dma_wait3A_19 : memref<1x128xi32, #tpu.memory_space<vmem>> -> memref<128xi32, #tpu.memory_space<vmem>>
        %dma_wait3A_21 = arith.constant 0 : i32
        %dma_wait3A_22 = arith.constant 0 : i32
        %dma_wait3A_23 = tpu.memref_slice %arg8[%dma_wait3A_21, %dma_wait3A_22] : memref<10112x128xf32, #tpu.memory_space<vmem_shared>> -> memref<10112x128xf32, #tpu.memory_space<vmem_shared>>
        tpu.wait_indirect_dma semaphore(%run_scoped3A : memref<!tpu.dma_semaphore, #tpu.memory_space<semaphore_mem>>) src(%arg7 : memref<128x128xf32, #tpu.memory_space<vmem>>) dst(%dma_wait3A_23 : memref<10112x128xf32, #tpu.memory_space<vmem_shared>>)
        tpu.yield
      }) : () -> ()
    }
    %scan3A_7 = arith.constant 81 : i32
    %barrier3A_8 = arith.constant 0 : index
    tpu.barrier barrier_id(%barrier3A_8)
    %mul3A_9 = arith.constant 632 : i32
    %mul3A_10 = arith.muli %arg1, %mul3A_9 : i32
    %mul3A_11 = arith.constant 632 : i32
    %mul3A_12 = arith.muli %arg1, %mul3A_11 : i32
    "tpu.region"() ({
      %run_scoped3A = tpu.sem_alloc : memref<!tpu.dma_semaphore, #tpu.memory_space<semaphore_mem>>
      %dma_start3A = arith.constant 0 : i32
      %dma_start3A_13 = tpu.memref_slice %arg5[%arg0, %mul3A_12, %dma_start3A] : memref<2x10112x128xf32, #tpu.memory_space<hbm>> -> memref<1x632x128xf32, #tpu.memory_space<hbm>>
      %dma_start3A_14 = tpu.memref_squeeze %dma_start3A_13 : memref<1x632x128xf32, #tpu.memory_space<hbm>> -> memref<632x128xf32, #tpu.memory_space<hbm>>
      %dma_start3A_15 = arith.constant 0 : i32
      %dma_start3A_16 = tpu.memref_slice %arg8[%mul3A_10, %dma_start3A_15] : memref<10112x128xf32, #tpu.memory_space<vmem_shared>> -> memref<632x128xf32, #tpu.memory_space<vmem_shared>>
      tpu.enqueue_dma source(%dma_start3A_16 : memref<632x128xf32, #tpu.memory_space<vmem_shared>>) target(%dma_start3A_14 : memref<632x128xf32, #tpu.memory_space<hbm>>) target_semaphore(%run_scoped3A : memref<!tpu.dma_semaphore, #tpu.memory_space<semaphore_mem>>)
      %dma_wait3A = arith.constant 0 : i32
      %dma_wait3A_17 = tpu.memref_slice %arg5[%arg0, %mul3A_12, %dma_wait3A] : memref<2x10112x128xf32, #tpu.memory_space<hbm>> -> memref<1x632x128xf32, #tpu.memory_space<hbm>>
      %dma_wait3A_18 = tpu.memref_squeeze %dma_wait3A_17 : memref<1x632x128xf32, #tpu.memory_space<hbm>> -> memref<632x128xf32, #tpu.memory_space<hbm>>
      %dma_wait3A_19 = arith.constant 0 : i32
      %dma_wait3A_20 = tpu.memref_slice %arg8[%mul3A_10, %dma_wait3A_19] : memref<10112x128xf32, #tpu.memory_space<vmem_shared>> -> memref<632x128xf32, #tpu.memory_space<vmem_shared>>
      tpu.wait_dma2 semaphore(%run_scoped3A : memref<!tpu.dma_semaphore, #tpu.memory_space<semaphore_mem>>) src(%dma_wait3A_20 : memref<632x128xf32, #tpu.memory_space<vmem_shared>>) dst(%dma_wait3A_18 : memref<632x128xf32, #tpu.memory_space<hbm>>)
      tpu.yield
    }) : () -> ()
    return
  }
}

#map = affine_map<(d0, d1) -> (0, 0)>
#map1 = affine_map<(d0, d1) -> (0, 0, 0)>
module attributes {stable_mosaic.version = 14 : i64} {
  func.func @_sc_aggregate(%arg0: i32, %arg1: i32, %arg2: memref<10112x128xf32, #tpu.memory_space<hbm>>, %arg3: memref<32x81x128xi32, #tpu.memory_space<hbm>>, %arg4: memref<32x81x128xi32, #tpu.memory_space<hbm>>, %arg5: memref<632x128xf32, #tpu.memory_space<hbm>>, %arg6: memref<2x10112x128xf32, #tpu.memory_space<hbm>>, %arg7: memref<81x128xi32, #tpu.memory_space<vmem>>, %arg8: memref<81x128xi32, #tpu.memory_space<vmem>>, %arg9: memref<128x128xf32, #tpu.memory_space<vmem>>, %arg10: memref<10112x128xf32, #tpu.memory_space<vmem_shared>>, %arg11: memref<!tpu.dma_semaphore, #tpu.memory_space<semaphore_mem>>) attributes {dimension_semantics = [#tpu.dimension_semantics<core_parallel>, #tpu.dimension_semantics<subcore_parallel>], iteration_bounds = array<i64: 2, 16>, scalar_prefetch = 0 : i64, scratch_operands = 5 : i64, tpu.core_type = #tpu.core_type<sc_vector_subcore>, window_params = [{transform_indices = #map}, {transform_indices = #map1}, {transform_indices = #map1}, {transform_indices = #map}, {transform_indices = #map1}]} {
    %mul3A = arith.constant 2 : i32
    %mul3A_0 = arith.muli %arg1, %mul3A : i32
    %add3A = arith.addi %mul3A_0, %arg0 : i32
    "tpu.region"() ({
      %run_scoped3A = tpu.sem_alloc : memref<!tpu.dma_semaphore, #tpu.memory_space<semaphore_mem>>
      %dma_start3A = arith.constant 0 : i32
      %dma_start3A_13 = arith.constant 0 : i32
      %dma_start3A_14 = tpu.memref_slice %arg3[%add3A, %dma_start3A, %dma_start3A_13] : memref<32x81x128xi32, #tpu.memory_space<hbm>> -> memref<1x81x128xi32, #tpu.memory_space<hbm>>
      %dma_start3A_15 = tpu.memref_squeeze %dma_start3A_14 : memref<1x81x128xi32, #tpu.memory_space<hbm>> -> memref<81x128xi32, #tpu.memory_space<hbm>>
      %dma_start3A_16 = arith.constant 0 : i32
      %dma_start3A_17 = arith.constant 0 : i32
      %dma_start3A_18 = tpu.memref_slice %arg3[%add3A, %dma_start3A_16, %dma_start3A_17] : memref<32x81x128xi32, #tpu.memory_space<hbm>> -> memref<1x81x128xi32, #tpu.memory_space<hbm>>
      %dma_start3A_19 = tpu.memref_squeeze %dma_start3A_18 : memref<1x81x128xi32, #tpu.memory_space<hbm>> -> memref<81x128xi32, #tpu.memory_space<hbm>>
      tpu.enqueue_dma source(%dma_start3A_19 : memref<81x128xi32, #tpu.memory_space<hbm>>) target(%arg7 : memref<81x128xi32, #tpu.memory_space<vmem>>) target_semaphore(%run_scoped3A : memref<!tpu.dma_semaphore, #tpu.memory_space<semaphore_mem>>)
      %dma_wait3A = arith.constant 0 : i32
      %dma_wait3A_20 = arith.constant 0 : i32
      %dma_wait3A_21 = tpu.memref_slice %arg3[%add3A, %dma_wait3A, %dma_wait3A_20] : memref<32x81x128xi32, #tpu.memory_space<hbm>> -> memref<1x81x128xi32, #tpu.memory_space<hbm>>
      %dma_wait3A_22 = tpu.memref_squeeze %dma_wait3A_21 : memref<1x81x128xi32, #tpu.memory_space<hbm>> -> memref<81x128xi32, #tpu.memory_space<hbm>>
      %dma_wait3A_23 = arith.constant 0 : i32
      %dma_wait3A_24 = arith.constant 0 : i32
      %dma_wait3A_25 = tpu.memref_slice %arg3[%add3A, %dma_wait3A_23, %dma_wait3A_24] : memref<32x81x128xi32, #tpu.memory_space<hbm>> -> memref<1x81x128xi32, #tpu.memory_space<hbm>>
      %dma_wait3A_26 = tpu.memref_squeeze %dma_wait3A_25 : memref<1x81x128xi32, #tpu.memory_space<hbm>> -> memref<81x128xi32, #tpu.memory_space<hbm>>
      tpu.wait_dma2 semaphore(%run_scoped3A : memref<!tpu.dma_semaphore, #tpu.memory_space<semaphore_mem>>) src(%dma_wait3A_26 : memref<81x128xi32, #tpu.memory_space<hbm>>) dst(%arg7 : memref<81x128xi32, #tpu.memory_space<vmem>>)
      tpu.yield
    }) : () -> ()
    "tpu.region"() ({
      %run_scoped3A = tpu.sem_alloc : memref<!tpu.dma_semaphore, #tpu.memory_space<semaphore_mem>>
      %dma_start3A = arith.constant 0 : i32
      %dma_start3A_13 = arith.constant 0 : i32
      %dma_start3A_14 = tpu.memref_slice %arg4[%add3A, %dma_start3A, %dma_start3A_13] : memref<32x81x128xi32, #tpu.memory_space<hbm>> -> memref<1x81x128xi32, #tpu.memory_space<hbm>>
      %dma_start3A_15 = tpu.memref_squeeze %dma_start3A_14 : memref<1x81x128xi32, #tpu.memory_space<hbm>> -> memref<81x128xi32, #tpu.memory_space<hbm>>
      %dma_start3A_16 = arith.constant 0 : i32
      %dma_start3A_17 = arith.constant 0 : i32
      %dma_start3A_18 = tpu.memref_slice %arg4[%add3A, %dma_start3A_16, %dma_start3A_17] : memref<32x81x128xi32, #tpu.memory_space<hbm>> -> memref<1x81x128xi32, #tpu.memory_space<hbm>>
      %dma_start3A_19 = tpu.memref_squeeze %dma_start3A_18 : memref<1x81x128xi32, #tpu.memory_space<hbm>> -> memref<81x128xi32, #tpu.memory_space<hbm>>
      tpu.enqueue_dma source(%dma_start3A_19 : memref<81x128xi32, #tpu.memory_space<hbm>>) target(%arg8 : memref<81x128xi32, #tpu.memory_space<vmem>>) target_semaphore(%run_scoped3A : memref<!tpu.dma_semaphore, #tpu.memory_space<semaphore_mem>>)
      %dma_wait3A = arith.constant 0 : i32
      %dma_wait3A_20 = arith.constant 0 : i32
      %dma_wait3A_21 = tpu.memref_slice %arg4[%add3A, %dma_wait3A, %dma_wait3A_20] : memref<32x81x128xi32, #tpu.memory_space<hbm>> -> memref<1x81x128xi32, #tpu.memory_space<hbm>>
      %dma_wait3A_22 = tpu.memref_squeeze %dma_wait3A_21 : memref<1x81x128xi32, #tpu.memory_space<hbm>> -> memref<81x128xi32, #tpu.memory_space<hbm>>
      %dma_wait3A_23 = arith.constant 0 : i32
      %dma_wait3A_24 = arith.constant 0 : i32
      %dma_wait3A_25 = tpu.memref_slice %arg4[%add3A, %dma_wait3A_23, %dma_wait3A_24] : memref<32x81x128xi32, #tpu.memory_space<hbm>> -> memref<1x81x128xi32, #tpu.memory_space<hbm>>
      %dma_wait3A_26 = tpu.memref_squeeze %dma_wait3A_25 : memref<1x81x128xi32, #tpu.memory_space<hbm>> -> memref<81x128xi32, #tpu.memory_space<hbm>>
      tpu.wait_dma2 semaphore(%run_scoped3A : memref<!tpu.dma_semaphore, #tpu.memory_space<semaphore_mem>>) src(%dma_wait3A_26 : memref<81x128xi32, #tpu.memory_space<hbm>>) dst(%arg8 : memref<81x128xi32, #tpu.memory_space<vmem>>)
      tpu.yield
    }) : () -> ()
    %mul3A_1 = arith.constant 632 : i32
    %mul3A_2 = arith.muli %arg1, %mul3A_1 : i32
    "tpu.region"() ({
      %run_scoped3A = tpu.sem_alloc : memref<!tpu.dma_semaphore, #tpu.memory_space<semaphore_mem>>
      %dma_start3A = arith.constant 0 : i32
      %dma_start3A_13 = tpu.memref_slice %arg10[%mul3A_2, %dma_start3A] : memref<10112x128xf32, #tpu.memory_space<vmem_shared>> -> memref<632x128xf32, #tpu.memory_space<vmem_shared>>
      tpu.enqueue_dma source(%arg5 : memref<632x128xf32, #tpu.memory_space<hbm>>) target(%dma_start3A_13 : memref<632x128xf32, #tpu.memory_space<vmem_shared>>) target_semaphore(%run_scoped3A : memref<!tpu.dma_semaphore, #tpu.memory_space<semaphore_mem>>)
      %dma_wait3A = arith.constant 0 : i32
      %dma_wait3A_14 = tpu.memref_slice %arg10[%mul3A_2, %dma_wait3A] : memref<10112x128xf32, #tpu.memory_space<vmem_shared>> -> memref<632x128xf32, #tpu.memory_space<vmem_shared>>
      tpu.wait_dma2 semaphore(%run_scoped3A : memref<!tpu.dma_semaphore, #tpu.memory_space<semaphore_mem>>) src(%arg5 : memref<632x128xf32, #tpu.memory_space<hbm>>) dst(%dma_wait3A_14 : memref<632x128xf32, #tpu.memory_space<vmem_shared>>)
      tpu.yield
    }) : () -> ()
    %barrier3A = arith.constant 0 : index
    tpu.barrier barrier_id(%barrier3A)
    %scan3A = arith.constant 0 : i32
    %scan3A_3 = arith.constant 0 : i32
    %scan3A_4 = arith.constant 81 : i32
    %scan3A_5 = arith.addi %scan3A_3, %scan3A_4 : i32
    %scan3A_6 = arith.constant 1 : i32
    scf.for %scan3A_13 = %scan3A_3 to %scan3A_5 step %scan3A_6  : i32 {
      %dma_start3A = arith.constant 0 : i32
      %dma_start3A_14 = tpu.memref_slice %arg7[%scan3A_13, %dma_start3A] : memref<81x128xi32, #tpu.memory_space<vmem>> -> memref<1x128xi32, #tpu.memory_space<vmem>>
      %dma_start3A_15 = tpu.memref_squeeze %dma_start3A_14 : memref<1x128xi32, #tpu.memory_space<vmem>> -> memref<128xi32, #tpu.memory_space<vmem>>
      %dma_start3A_16 = arith.constant 0 : i32
      %dma_start3A_17 = arith.constant 0 : i32
      %dma_start3A_18 = tpu.memref_slice %arg2[%dma_start3A_16, %dma_start3A_17] : memref<10112x128xf32, #tpu.memory_space<hbm>> -> memref<10112x128xf32, #tpu.memory_space<hbm>>
      tpu.enqueue_indirect_dma source(%dma_start3A_18 : memref<10112x128xf32, #tpu.memory_space<hbm>>) target(%arg9 : memref<128x128xf32, #tpu.memory_space<vmem>>) offsets(%dma_start3A_15 : memref<128xi32, #tpu.memory_space<vmem>>) semaphore(%arg11 : memref<!tpu.dma_semaphore, #tpu.memory_space<semaphore_mem>>)
      %dma_wait3A = arith.constant 0 : i32
      %dma_wait3A_19 = tpu.memref_slice %arg7[%scan3A_13, %dma_wait3A] : memref<81x128xi32, #tpu.memory_space<vmem>> -> memref<1x128xi32, #tpu.memory_space<vmem>>
      %dma_wait3A_20 = tpu.memref_squeeze %dma_wait3A_19 : memref<1x128xi32, #tpu.memory_space<vmem>> -> memref<128xi32, #tpu.memory_space<vmem>>
      %dma_wait3A_21 = arith.constant 0 : i32
      %dma_wait3A_22 = arith.constant 0 : i32
      %dma_wait3A_23 = tpu.memref_slice %arg2[%dma_wait3A_21, %dma_wait3A_22] : memref<10112x128xf32, #tpu.memory_space<hbm>> -> memref<10112x128xf32, #tpu.memory_space<hbm>>
      tpu.wait_indirect_dma semaphore(%arg11 : memref<!tpu.dma_semaphore, #tpu.memory_space<semaphore_mem>>) src(%dma_wait3A_23 : memref<10112x128xf32, #tpu.memory_space<hbm>>) dst(%arg9 : memref<128x128xf32, #tpu.memory_space<vmem>>)
      "tpu.region"() ({
        %run_scoped3A = tpu.sem_alloc : memref<!tpu.dma_semaphore, #tpu.memory_space<semaphore_mem>>
        %dma_start3A_24 = arith.constant 0 : i32
        %dma_start3A_25 = tpu.memref_slice %arg8[%scan3A_13, %dma_start3A_24] : memref<81x128xi32, #tpu.memory_space<vmem>> -> memref<1x128xi32, #tpu.memory_space<vmem>>
        %dma_start3A_26 = tpu.memref_squeeze %dma_start3A_25 : memref<1x128xi32, #tpu.memory_space<vmem>> -> memref<128xi32, #tpu.memory_space<vmem>>
        %dma_start3A_27 = arith.constant 0 : i32
        %dma_start3A_28 = arith.constant 0 : i32
        %dma_start3A_29 = tpu.memref_slice %arg10[%dma_start3A_27, %dma_start3A_28] : memref<10112x128xf32, #tpu.memory_space<vmem_shared>> -> memref<10112x128xf32, #tpu.memory_space<vmem_shared>>
        tpu.enqueue_indirect_dma source(%arg9 : memref<128x128xf32, #tpu.memory_space<vmem>>) target(%dma_start3A_29 : memref<10112x128xf32, #tpu.memory_space<vmem_shared>>) offsets(%dma_start3A_26 : memref<128xi32, #tpu.memory_space<vmem>>) semaphore(%run_scoped3A : memref<!tpu.dma_semaphore, #tpu.memory_space<semaphore_mem>>) {add = true}
        %dma_wait3A_30 = arith.constant 0 : i32
        %dma_wait3A_31 = tpu.memref_slice %arg8[%scan3A_13, %dma_wait3A_30] : memref<81x128xi32, #tpu.memory_space<vmem>> -> memref<1x128xi32, #tpu.memory_space<vmem>>
        %dma_wait3A_32 = tpu.memref_squeeze %dma_wait3A_31 : memref<1x128xi32, #tpu.memory_space<vmem>> -> memref<128xi32, #tpu.memory_space<vmem>>
        %dma_wait3A_33 = arith.constant 0 : i32
        %dma_wait3A_34 = arith.constant 0 : i32
        %dma_wait3A_35 = tpu.memref_slice %arg10[%dma_wait3A_33, %dma_wait3A_34] : memref<10112x128xf32, #tpu.memory_space<vmem_shared>> -> memref<10112x128xf32, #tpu.memory_space<vmem_shared>>
        tpu.wait_indirect_dma semaphore(%run_scoped3A : memref<!tpu.dma_semaphore, #tpu.memory_space<semaphore_mem>>) src(%arg9 : memref<128x128xf32, #tpu.memory_space<vmem>>) dst(%dma_wait3A_35 : memref<10112x128xf32, #tpu.memory_space<vmem_shared>>)
        tpu.yield
      }) : () -> ()
    }
    %scan3A_7 = arith.constant 81 : i32
    %barrier3A_8 = arith.constant 0 : index
    tpu.barrier barrier_id(%barrier3A_8)
    %mul3A_9 = arith.constant 632 : i32
    %mul3A_10 = arith.muli %arg1, %mul3A_9 : i32
    %mul3A_11 = arith.constant 632 : i32
    %mul3A_12 = arith.muli %arg1, %mul3A_11 : i32
    "tpu.region"() ({
      %run_scoped3A = tpu.sem_alloc : memref<!tpu.dma_semaphore, #tpu.memory_space<semaphore_mem>>
      %dma_start3A = arith.constant 0 : i32
      %dma_start3A_13 = tpu.memref_slice %arg6[%arg0, %mul3A_12, %dma_start3A] : memref<2x10112x128xf32, #tpu.memory_space<hbm>> -> memref<1x632x128xf32, #tpu.memory_space<hbm>>
      %dma_start3A_14 = tpu.memref_squeeze %dma_start3A_13 : memref<1x632x128xf32, #tpu.memory_space<hbm>> -> memref<632x128xf32, #tpu.memory_space<hbm>>
      %dma_start3A_15 = arith.constant 0 : i32
      %dma_start3A_16 = tpu.memref_slice %arg10[%mul3A_10, %dma_start3A_15] : memref<10112x128xf32, #tpu.memory_space<vmem_shared>> -> memref<632x128xf32, #tpu.memory_space<vmem_shared>>
      tpu.enqueue_dma source(%dma_start3A_16 : memref<632x128xf32, #tpu.memory_space<vmem_shared>>) target(%dma_start3A_14 : memref<632x128xf32, #tpu.memory_space<hbm>>) target_semaphore(%run_scoped3A : memref<!tpu.dma_semaphore, #tpu.memory_space<semaphore_mem>>)
      %dma_wait3A = arith.constant 0 : i32
      %dma_wait3A_17 = tpu.memref_slice %arg6[%arg0, %mul3A_12, %dma_wait3A] : memref<2x10112x128xf32, #tpu.memory_space<hbm>> -> memref<1x632x128xf32, #tpu.memory_space<hbm>>
      %dma_wait3A_18 = tpu.memref_squeeze %dma_wait3A_17 : memref<1x632x128xf32, #tpu.memory_space<hbm>> -> memref<632x128xf32, #tpu.memory_space<hbm>>
      %dma_wait3A_19 = arith.constant 0 : i32
      %dma_wait3A_20 = tpu.memref_slice %arg10[%mul3A_10, %dma_wait3A_19] : memref<10112x128xf32, #tpu.memory_space<vmem_shared>> -> memref<632x128xf32, #tpu.memory_space<vmem_shared>>
      tpu.wait_dma2 semaphore(%run_scoped3A : memref<!tpu.dma_semaphore, #tpu.memory_space<semaphore_mem>>) src(%dma_wait3A_20 : memref<632x128xf32, #tpu.memory_space<vmem_shared>>) dst(%dma_wait3A_18 : memref<632x128xf32, #tpu.memory_space<hbm>>)
      tpu.yield
    }) : () -> ()
    return
  }
}

#map = affine_map<(d0, d1) -> (0, 0)>
#map1 = affine_map<(d0, d1) -> (0, 0, 0)>
module attributes {stable_mosaic.version = 14 : i64} {
  func.func @_sc_aggregate(%arg0: i32, %arg1: i32, %arg2: memref<10112x128xf32, #tpu.memory_space<hbm>>, %arg3: memref<32x81x128xi32, #tpu.memory_space<hbm>>, %arg4: memref<32x81x128xi32, #tpu.memory_space<hbm>>, %arg5: memref<632x128xf32, #tpu.memory_space<hbm>>, %arg6: memref<2x10112x128xf32, #tpu.memory_space<hbm>>, %arg7: memref<81x128xi32, #tpu.memory_space<vmem>>, %arg8: memref<81x128xi32, #tpu.memory_space<vmem>>, %arg9: memref<128x128xf32, #tpu.memory_space<vmem>>, %arg10: memref<10112x128xf32, #tpu.memory_space<vmem_shared>>, %arg11: memref<!tpu.dma_semaphore, #tpu.memory_space<semaphore_mem>>) attributes {dimension_semantics = [#tpu.dimension_semantics<core_parallel>, #tpu.dimension_semantics<subcore_parallel>], iteration_bounds = array<i64: 2, 16>, scalar_prefetch = 0 : i64, scratch_operands = 5 : i64, tpu.core_type = #tpu.core_type<sc_vector_subcore>, window_params = [{transform_indices = #map}, {transform_indices = #map1}, {transform_indices = #map1}, {transform_indices = #map}, {transform_indices = #map1}]} {
    %mul3A = arith.constant 2 : i32
    %mul3A_0 = arith.muli %arg1, %mul3A : i32
    %add3A = arith.addi %mul3A_0, %arg0 : i32
    "tpu.region"() ({
      %run_scoped3A = tpu.sem_alloc : memref<!tpu.dma_semaphore, #tpu.memory_space<semaphore_mem>>
      %dma_start3A = arith.constant 0 : i32
      %dma_start3A_13 = arith.constant 0 : i32
      %dma_start3A_14 = tpu.memref_slice %arg3[%add3A, %dma_start3A, %dma_start3A_13] : memref<32x81x128xi32, #tpu.memory_space<hbm>> -> memref<1x81x128xi32, #tpu.memory_space<hbm>>
      %dma_start3A_15 = tpu.memref_squeeze %dma_start3A_14 : memref<1x81x128xi32, #tpu.memory_space<hbm>> -> memref<81x128xi32, #tpu.memory_space<hbm>>
      %dma_start3A_16 = arith.constant 0 : i32
      %dma_start3A_17 = arith.constant 0 : i32
      %dma_start3A_18 = tpu.memref_slice %arg3[%add3A, %dma_start3A_16, %dma_start3A_17] : memref<32x81x128xi32, #tpu.memory_space<hbm>> -> memref<1x81x128xi32, #tpu.memory_space<hbm>>
      %dma_start3A_19 = tpu.memref_squeeze %dma_start3A_18 : memref<1x81x128xi32, #tpu.memory_space<hbm>> -> memref<81x128xi32, #tpu.memory_space<hbm>>
      tpu.enqueue_dma source(%dma_start3A_19 : memref<81x128xi32, #tpu.memory_space<hbm>>) target(%arg7 : memref<81x128xi32, #tpu.memory_space<vmem>>) target_semaphore(%run_scoped3A : memref<!tpu.dma_semaphore, #tpu.memory_space<semaphore_mem>>)
      %dma_wait3A = arith.constant 0 : i32
      %dma_wait3A_20 = arith.constant 0 : i32
      %dma_wait3A_21 = tpu.memref_slice %arg3[%add3A, %dma_wait3A, %dma_wait3A_20] : memref<32x81x128xi32, #tpu.memory_space<hbm>> -> memref<1x81x128xi32, #tpu.memory_space<hbm>>
      %dma_wait3A_22 = tpu.memref_squeeze %dma_wait3A_21 : memref<1x81x128xi32, #tpu.memory_space<hbm>> -> memref<81x128xi32, #tpu.memory_space<hbm>>
      %dma_wait3A_23 = arith.constant 0 : i32
      %dma_wait3A_24 = arith.constant 0 : i32
      %dma_wait3A_25 = tpu.memref_slice %arg3[%add3A, %dma_wait3A_23, %dma_wait3A_24] : memref<32x81x128xi32, #tpu.memory_space<hbm>> -> memref<1x81x128xi32, #tpu.memory_space<hbm>>
      %dma_wait3A_26 = tpu.memref_squeeze %dma_wait3A_25 : memref<1x81x128xi32, #tpu.memory_space<hbm>> -> memref<81x128xi32, #tpu.memory_space<hbm>>
      tpu.wait_dma2 semaphore(%run_scoped3A : memref<!tpu.dma_semaphore, #tpu.memory_space<semaphore_mem>>) src(%dma_wait3A_26 : memref<81x128xi32, #tpu.memory_space<hbm>>) dst(%arg7 : memref<81x128xi32, #tpu.memory_space<vmem>>)
      tpu.yield
    }) : () -> ()
    "tpu.region"() ({
      %run_scoped3A = tpu.sem_alloc : memref<!tpu.dma_semaphore, #tpu.memory_space<semaphore_mem>>
      %dma_start3A = arith.constant 0 : i32
      %dma_start3A_13 = arith.constant 0 : i32
      %dma_start3A_14 = tpu.memref_slice %arg4[%add3A, %dma_start3A, %dma_start3A_13] : memref<32x81x128xi32, #tpu.memory_space<hbm>> -> memref<1x81x128xi32, #tpu.memory_space<hbm>>
      %dma_start3A_15 = tpu.memref_squeeze %dma_start3A_14 : memref<1x81x128xi32, #tpu.memory_space<hbm>> -> memref<81x128xi32, #tpu.memory_space<hbm>>
      %dma_start3A_16 = arith.constant 0 : i32
      %dma_start3A_17 = arith.constant 0 : i32
      %dma_start3A_18 = tpu.memref_slice %arg4[%add3A, %dma_start3A_16, %dma_start3A_17] : memref<32x81x128xi32, #tpu.memory_space<hbm>> -> memref<1x81x128xi32, #tpu.memory_space<hbm>>
      %dma_start3A_19 = tpu.memref_squeeze %dma_start3A_18 : memref<1x81x128xi32, #tpu.memory_space<hbm>> -> memref<81x128xi32, #tpu.memory_space<hbm>>
      tpu.enqueue_dma source(%dma_start3A_19 : memref<81x128xi32, #tpu.memory_space<hbm>>) target(%arg8 : memref<81x128xi32, #tpu.memory_space<vmem>>) target_semaphore(%run_scoped3A : memref<!tpu.dma_semaphore, #tpu.memory_space<semaphore_mem>>)
      %dma_wait3A = arith.constant 0 : i32
      %dma_wait3A_20 = arith.constant 0 : i32
      %dma_wait3A_21 = tpu.memref_slice %arg4[%add3A, %dma_wait3A, %dma_wait3A_20] : memref<32x81x128xi32, #tpu.memory_space<hbm>> -> memref<1x81x128xi32, #tpu.memory_space<hbm>>
      %dma_wait3A_22 = tpu.memref_squeeze %dma_wait3A_21 : memref<1x81x128xi32, #tpu.memory_space<hbm>> -> memref<81x128xi32, #tpu.memory_space<hbm>>
      %dma_wait3A_23 = arith.constant 0 : i32
      %dma_wait3A_24 = arith.constant 0 : i32
      %dma_wait3A_25 = tpu.memref_slice %arg4[%add3A, %dma_wait3A_23, %dma_wait3A_24] : memref<32x81x128xi32, #tpu.memory_space<hbm>> -> memref<1x81x128xi32, #tpu.memory_space<hbm>>
      %dma_wait3A_26 = tpu.memref_squeeze %dma_wait3A_25 : memref<1x81x128xi32, #tpu.memory_space<hbm>> -> memref<81x128xi32, #tpu.memory_space<hbm>>
      tpu.wait_dma2 semaphore(%run_scoped3A : memref<!tpu.dma_semaphore, #tpu.memory_space<semaphore_mem>>) src(%dma_wait3A_26 : memref<81x128xi32, #tpu.memory_space<hbm>>) dst(%arg8 : memref<81x128xi32, #tpu.memory_space<vmem>>)
      tpu.yield
    }) : () -> ()
    %mul3A_1 = arith.constant 632 : i32
    %mul3A_2 = arith.muli %arg1, %mul3A_1 : i32
    "tpu.region"() ({
      %run_scoped3A = tpu.sem_alloc : memref<!tpu.dma_semaphore, #tpu.memory_space<semaphore_mem>>
      %dma_start3A = arith.constant 0 : i32
      %dma_start3A_13 = tpu.memref_slice %arg10[%mul3A_2, %dma_start3A] : memref<10112x128xf32, #tpu.memory_space<vmem_shared>> -> memref<632x128xf32, #tpu.memory_space<vmem_shared>>
      tpu.enqueue_dma source(%arg5 : memref<632x128xf32, #tpu.memory_space<hbm>>) target(%dma_start3A_13 : memref<632x128xf32, #tpu.memory_space<vmem_shared>>) target_semaphore(%run_scoped3A : memref<!tpu.dma_semaphore, #tpu.memory_space<semaphore_mem>>)
      %dma_wait3A = arith.constant 0 : i32
      %dma_wait3A_14 = tpu.memref_slice %arg10[%mul3A_2, %dma_wait3A] : memref<10112x128xf32, #tpu.memory_space<vmem_shared>> -> memref<632x128xf32, #tpu.memory_space<vmem_shared>>
      tpu.wait_dma2 semaphore(%run_scoped3A : memref<!tpu.dma_semaphore, #tpu.memory_space<semaphore_mem>>) src(%arg5 : memref<632x128xf32, #tpu.memory_space<hbm>>) dst(%dma_wait3A_14 : memref<632x128xf32, #tpu.memory_space<vmem_shared>>)
      tpu.yield
    }) : () -> ()
    %barrier3A = arith.constant 0 : index
    tpu.barrier barrier_id(%barrier3A)
    %scan3A = arith.constant 0 : i32
    %scan3A_3 = arith.constant 0 : i32
    %scan3A_4 = arith.constant 81 : i32
    %scan3A_5 = arith.addi %scan3A_3, %scan3A_4 : i32
    %scan3A_6 = arith.constant 1 : i32
    scf.for %scan3A_13 = %scan3A_3 to %scan3A_5 step %scan3A_6  : i32 {
      %dma_start3A = arith.constant 0 : i32
      %dma_start3A_14 = tpu.memref_slice %arg7[%scan3A_13, %dma_start3A] : memref<81x128xi32, #tpu.memory_space<vmem>> -> memref<1x128xi32, #tpu.memory_space<vmem>>
      %dma_start3A_15 = tpu.memref_squeeze %dma_start3A_14 : memref<1x128xi32, #tpu.memory_space<vmem>> -> memref<128xi32, #tpu.memory_space<vmem>>
      %dma_start3A_16 = arith.constant 0 : i32
      %dma_start3A_17 = arith.constant 0 : i32
      %dma_start3A_18 = tpu.memref_slice %arg2[%dma_start3A_16, %dma_start3A_17] : memref<10112x128xf32, #tpu.memory_space<hbm>> -> memref<10112x128xf32, #tpu.memory_space<hbm>>
      tpu.enqueue_indirect_dma source(%dma_start3A_18 : memref<10112x128xf32, #tpu.memory_space<hbm>>) target(%arg9 : memref<128x128xf32, #tpu.memory_space<vmem>>) offsets(%dma_start3A_15 : memref<128xi32, #tpu.memory_space<vmem>>) semaphore(%arg11 : memref<!tpu.dma_semaphore, #tpu.memory_space<semaphore_mem>>)
      %dma_wait3A = arith.constant 0 : i32
      %dma_wait3A_19 = tpu.memref_slice %arg7[%scan3A_13, %dma_wait3A] : memref<81x128xi32, #tpu.memory_space<vmem>> -> memref<1x128xi32, #tpu.memory_space<vmem>>
      %dma_wait3A_20 = tpu.memref_squeeze %dma_wait3A_19 : memref<1x128xi32, #tpu.memory_space<vmem>> -> memref<128xi32, #tpu.memory_space<vmem>>
      %dma_wait3A_21 = arith.constant 0 : i32
      %dma_wait3A_22 = arith.constant 0 : i32
      %dma_wait3A_23 = tpu.memref_slice %arg2[%dma_wait3A_21, %dma_wait3A_22] : memref<10112x128xf32, #tpu.memory_space<hbm>> -> memref<10112x128xf32, #tpu.memory_space<hbm>>
      tpu.wait_indirect_dma semaphore(%arg11 : memref<!tpu.dma_semaphore, #tpu.memory_space<semaphore_mem>>) src(%dma_wait3A_23 : memref<10112x128xf32, #tpu.memory_space<hbm>>) dst(%arg9 : memref<128x128xf32, #tpu.memory_space<vmem>>)
      "tpu.region"() ({
        %run_scoped3A = tpu.sem_alloc : memref<!tpu.dma_semaphore, #tpu.memory_space<semaphore_mem>>
        %dma_start3A_24 = arith.constant 0 : i32
        %dma_start3A_25 = tpu.memref_slice %arg8[%scan3A_13, %dma_start3A_24] : memref<81x128xi32, #tpu.memory_space<vmem>> -> memref<1x128xi32, #tpu.memory_space<vmem>>
        %dma_start3A_26 = tpu.memref_squeeze %dma_start3A_25 : memref<1x128xi32, #tpu.memory_space<vmem>> -> memref<128xi32, #tpu.memory_space<vmem>>
        %dma_start3A_27 = arith.constant 0 : i32
        %dma_start3A_28 = arith.constant 0 : i32
        %dma_start3A_29 = tpu.memref_slice %arg10[%dma_start3A_27, %dma_start3A_28] : memref<10112x128xf32, #tpu.memory_space<vmem_shared>> -> memref<10112x128xf32, #tpu.memory_space<vmem_shared>>
        tpu.enqueue_indirect_dma source(%arg9 : memref<128x128xf32, #tpu.memory_space<vmem>>) target(%dma_start3A_29 : memref<10112x128xf32, #tpu.memory_space<vmem_shared>>) offsets(%dma_start3A_26 : memref<128xi32, #tpu.memory_space<vmem>>) semaphore(%run_scoped3A : memref<!tpu.dma_semaphore, #tpu.memory_space<semaphore_mem>>) {add = true}
        %dma_wait3A_30 = arith.constant 0 : i32
        %dma_wait3A_31 = tpu.memref_slice %arg8[%scan3A_13, %dma_wait3A_30] : memref<81x128xi32, #tpu.memory_space<vmem>> -> memref<1x128xi32, #tpu.memory_space<vmem>>
        %dma_wait3A_32 = tpu.memref_squeeze %dma_wait3A_31 : memref<1x128xi32, #tpu.memory_space<vmem>> -> memref<128xi32, #tpu.memory_space<vmem>>
        %dma_wait3A_33 = arith.constant 0 : i32
        %dma_wait3A_34 = arith.constant 0 : i32
        %dma_wait3A_35 = tpu.memref_slice %arg10[%dma_wait3A_33, %dma_wait3A_34] : memref<10112x128xf32, #tpu.memory_space<vmem_shared>> -> memref<10112x128xf32, #tpu.memory_space<vmem_shared>>
        tpu.wait_indirect_dma semaphore(%run_scoped3A : memref<!tpu.dma_semaphore, #tpu.memory_space<semaphore_mem>>) src(%arg9 : memref<128x128xf32, #tpu.memory_space<vmem>>) dst(%dma_wait3A_35 : memref<10112x128xf32, #tpu.memory_space<vmem_shared>>)
        tpu.yield
      }) : () -> ()
    }
    %scan3A_7 = arith.constant 81 : i32
    %barrier3A_8 = arith.constant 0 : index
    tpu.barrier barrier_id(%barrier3A_8)
    %mul3A_9 = arith.constant 632 : i32
    %mul3A_10 = arith.muli %arg1, %mul3A_9 : i32
    %mul3A_11 = arith.constant 632 : i32
    %mul3A_12 = arith.muli %arg1, %mul3A_11 : i32
    "tpu.region"() ({
      %run_scoped3A = tpu.sem_alloc : memref<!tpu.dma_semaphore, #tpu.memory_space<semaphore_mem>>
      %dma_start3A = arith.constant 0 : i32
      %dma_start3A_13 = tpu.memref_slice %arg6[%arg0, %mul3A_12, %dma_start3A] : memref<2x10112x128xf32, #tpu.memory_space<hbm>> -> memref<1x632x128xf32, #tpu.memory_space<hbm>>
      %dma_start3A_14 = tpu.memref_squeeze %dma_start3A_13 : memref<1x632x128xf32, #tpu.memory_space<hbm>> -> memref<632x128xf32, #tpu.memory_space<hbm>>
      %dma_start3A_15 = arith.constant 0 : i32
      %dma_start3A_16 = tpu.memref_slice %arg10[%mul3A_10, %dma_start3A_15] : memref<10112x128xf32, #tpu.memory_space<vmem_shared>> -> memref<632x128xf32, #tpu.memory_space<vmem_shared>>
      tpu.enqueue_dma source(%dma_start3A_16 : memref<632x128xf32, #tpu.memory_space<vmem_shared>>) target(%dma_start3A_14 : memref<632x128xf32, #tpu.memory_space<hbm>>) target_semaphore(%run_scoped3A : memref<!tpu.dma_semaphore, #tpu.memory_space<semaphore_mem>>)
      %dma_wait3A = arith.constant 0 : i32
      %dma_wait3A_17 = tpu.memref_slice %arg6[%arg0, %mul3A_12, %dma_wait3A] : memref<2x10112x128xf32, #tpu.memory_space<hbm>> -> memref<1x632x128xf32, #tpu.memory_space<hbm>>
      %dma_wait3A_18 = tpu.memref_squeeze %dma_wait3A_17 : memref<1x632x128xf32, #tpu.memory_space<hbm>> -> memref<632x128xf32, #tpu.memory_space<hbm>>
      %dma_wait3A_19 = arith.constant 0 : i32
      %dma_wait3A_20 = tpu.memref_slice %arg10[%mul3A_10, %dma_wait3A_19] : memref<10112x128xf32, #tpu.memory_space<vmem_shared>> -> memref<632x128xf32, #tpu.memory_space<vmem_shared>>
      tpu.wait_dma2 semaphore(%run_scoped3A : memref<!tpu.dma_semaphore, #tpu.memory_space<semaphore_mem>>) src(%dma_wait3A_20 : memref<632x128xf32, #tpu.memory_space<vmem_shared>>) dst(%dma_wait3A_18 : memref<632x128xf32, #tpu.memory_space<hbm>>)
      tpu.yield
    }) : () -> ()
    return
  }
}

module attributes {stable_mosaic.version = 14 : i64} {
  func.func @_tc1_body(%arg0: memref<10112x128xf32, #tpu.memory_space<vmem>>, %arg1: memref<2x10112x128xf32, #tpu.memory_space<vmem>>, %arg2: memref<128x128xf32, #tpu.memory_space<vmem>>, %arg3: memref<10112x128xf32, #tpu.memory_space<vmem>>, %arg4: memref<10112x1xf32, #tpu.memory_space<vmem>>) attributes {dimension_semantics = [], scalar_prefetch = 0 : i64, scratch_operands = 0 : i64, tpu.core_type = #tpu.core_type<tc>} {
    %get3A = arith.constant 0 : index
    %get3A_0 = arith.constant 0 : index
    %get3A_1 = arith.constant 0 : index
    %get3A_2 = vector.load %arg1[%get3A, %get3A_0, %get3A_1] : memref<2x10112x128xf32, #tpu.memory_space<vmem>>, vector<1x10112x128xf32>
    %get3A_3 = vector.shape_cast %get3A_2 : vector<1x10112x128xf32> to vector<10112x128xf32>
    %slice3A = vector.extract_strided_slice %get3A_3 {offsets = [0, 0], sizes = [10112, 1], strides = [1, 1]} : vector<10112x128xf32> to vector<10112x1xf32>
    %get3A_4 = arith.constant 1 : index
    %get3A_5 = arith.constant 0 : index
    %get3A_6 = arith.constant 0 : index
    %get3A_7 = vector.load %arg1[%get3A_4, %get3A_5, %get3A_6] : memref<2x10112x128xf32, #tpu.memory_space<vmem>>, vector<1x10112x128xf32>
    %get3A_8 = vector.shape_cast %get3A_7 : vector<1x10112x128xf32> to vector<10112x128xf32>
    %slice3A_9 = vector.extract_strided_slice %get3A_8 {offsets = [0, 0], sizes = [10112, 1], strides = [1, 1]} : vector<10112x128xf32> to vector<10112x1xf32>
    %add3A = arith.addf %slice3A, %slice3A_9 : vector<10112x1xf32>
    %max3A = arith.constant 1.000000e+00 : f32
    %max3A_10 = vector.broadcast %max3A : f32 to vector<10112x1xf32>
    %max3A_11 = arith.maximumf %add3A, %max3A_10 : vector<10112x1xf32>
    %rsqrt3A = math.rsqrt %max3A_11 : vector<10112x1xf32>
    %swap3A = arith.constant 0 : index
    %swap3A_12 = arith.constant 0 : index
    %swap3A_13 = vector.load %arg4[%swap3A, %swap3A_12] : memref<10112x1xf32, #tpu.memory_space<vmem>>, vector<10112x1xf32>
    tpu.vector_store %arg4[%swap3A, %swap3A_12], %rsqrt3A {strides = array<i32>} : memref<10112x1xf32, #tpu.memory_space<vmem>>, vector<10112x1xf32>,
    %get3A_14 = arith.constant 0 : index
    %get3A_15 = arith.constant 0 : index
    %get3A_16 = vector.load %arg0[%get3A_14, %get3A_15] : memref<10112x128xf32, #tpu.memory_space<vmem>>, vector<10112x128xf32>
    %get3A_17 = arith.constant 0 : index
    %get3A_18 = arith.constant 0 : index
    %get3A_19 = vector.load %arg2[%get3A_17, %get3A_18] : memref<128x128xf32, #tpu.memory_space<vmem>>, vector<128x128xf32>
    %dot_general3A = arith.constant dense<0.000000e+00> : vector<10112x128xf32>
    %dot_general3A_20 = tpu.matmul %get3A_16, %get3A_19, %dot_general3A {dimension_numbers = #tpu.dot_dimension_numbers<[1], [0], [0], [1], [0, 0, 1, 1], [], []>, transpose_lhs_hint = false} : vector<10112x128xf32>, vector<128x128xf32>, vector<10112x128xf32> -> vector<10112x128xf32>
    %mul3A = vector.broadcast %rsqrt3A : vector<10112x1xf32> to vector<10112x128xf32>
    %mul3A_21 = arith.mulf %dot_general3A_20, %mul3A : vector<10112x128xf32>
    %swap3A_22 = arith.constant 0 : index
    %swap3A_23 = arith.constant 0 : index
    %swap3A_24 = vector.load %arg3[%swap3A_22, %swap3A_23] : memref<10112x128xf32, #tpu.memory_space<vmem>>, vector<10112x128xf32>
    tpu.vector_store %arg3[%swap3A_22, %swap3A_23], %mul3A_21 {strides = array<i32>} : memref<10112x128xf32, #tpu.memory_space<vmem>>, vector<10112x128xf32>,
    return
  }
}

module attributes {stable_mosaic.version = 14 : i64} {
  func.func @_tc_mid_body(%arg0: memref<2x10112x128xf32, #tpu.memory_space<vmem>>, %arg1: memref<10112x1xf32, #tpu.memory_space<vmem>>, %arg2: memref<128xf32, #tpu.memory_space<vmem>>, %arg3: memref<128x128xf32, #tpu.memory_space<vmem>>, %arg4: memref<10112x128xf32, #tpu.memory_space<vmem>>) attributes {dimension_semantics = [], scalar_prefetch = 0 : i64, scratch_operands = 0 : i64, tpu.core_type = #tpu.core_type<tc>} {
    %get3A = arith.constant 0 : index
    %get3A_0 = arith.constant 0 : index
    %get3A_1 = arith.constant 0 : index
    %get3A_2 = vector.load %arg0[%get3A, %get3A_0, %get3A_1] : memref<2x10112x128xf32, #tpu.memory_space<vmem>>, vector<1x10112x128xf32>
    %get3A_3 = vector.shape_cast %get3A_2 : vector<1x10112x128xf32> to vector<10112x128xf32>
    %get3A_4 = arith.constant 1 : index
    %get3A_5 = arith.constant 0 : index
    %get3A_6 = arith.constant 0 : index
    %get3A_7 = vector.load %arg0[%get3A_4, %get3A_5, %get3A_6] : memref<2x10112x128xf32, #tpu.memory_space<vmem>>, vector<1x10112x128xf32>
    %get3A_8 = vector.shape_cast %get3A_7 : vector<1x10112x128xf32> to vector<10112x128xf32>
    %add3A = arith.addf %get3A_3, %get3A_8 : vector<10112x128xf32>
    %get3A_9 = arith.constant 0 : index
    %get3A_10 = arith.constant 0 : index
    %get3A_11 = vector.load %arg1[%get3A_9, %get3A_10] : memref<10112x1xf32, #tpu.memory_space<vmem>>, vector<10112x1xf32>
    %mul3A = vector.broadcast %get3A_11 : vector<10112x1xf32> to vector<10112x128xf32>
    %mul3A_12 = arith.mulf %add3A, %mul3A : vector<10112x128xf32>
    %get3A_13 = arith.constant 0 : index
    %get3A_14 = vector.load %arg2[%get3A_13] : memref<128xf32, #tpu.memory_space<vmem>>, vector<128xf32>
    %broadcast_in_dim3A = vector.shape_cast %get3A_14 : vector<128xf32> to vector<1x128xf32>
    %add3A_15 = vector.broadcast %broadcast_in_dim3A : vector<1x128xf32> to vector<10112x128xf32>
    %add3A_16 = arith.addf %mul3A_12, %add3A_15 : vector<10112x128xf32>
    %max3A = arith.constant 0.000000e+00 : f32
    %max3A_17 = vector.broadcast %max3A : f32 to vector<10112x128xf32>
    %max3A_18 = arith.maximumf %add3A_16, %max3A_17 : vector<10112x128xf32>
    %iota3A = tpu.iota {dimensions = array<i32: 0>} : vector<10112x1xi32>
    %lt3A = arith.constant 10000 : i32
    %lt3A_19 = vector.broadcast %lt3A : i32 to vector<10112x1xi32>
    %lt3A_20 = arith.cmpi slt, %iota3A, %lt3A_19 : vector<10112x1xi32>
    %jit3A = arith.constant 0.000000e+00 : f32
    %broadcast_in_dim3A_21 = vector.shape_cast %lt3A_20 : vector<10112x1xi1> to vector<10112x1xi1>
    %broadcast_in_dim3A_22 = vector.broadcast %broadcast_in_dim3A_21 : vector<10112x1xi1> to vector<10112x128xi1>
    %broadcast_in_dim3A_23 = vector.broadcast %jit3A : f32 to vector<10112x128xf32>
    %select_n3A = arith.select %broadcast_in_dim3A_22, %max3A_18, %broadcast_in_dim3A_23 : vector<10112x128xi1>, vector<10112x128xf32>
    %get3A_24 = arith.constant 0 : index
    %get3A_25 = arith.constant 0 : index
    %get3A_26 = vector.load %arg3[%get3A_24, %get3A_25] : memref<128x128xf32, #tpu.memory_space<vmem>>, vector<128x128xf32>
    %dot_general3A = arith.constant dense<0.000000e+00> : vector<10112x128xf32>
    %dot_general3A_27 = tpu.matmul %select_n3A, %get3A_26, %dot_general3A {dimension_numbers = #tpu.dot_dimension_numbers<[1], [0], [0], [1], [0, 0, 1, 1], [], []>, transpose_lhs_hint = false} : vector<10112x128xf32>, vector<128x128xf32>, vector<10112x128xf32> -> vector<10112x128xf32>
    %mul3A_28 = vector.broadcast %get3A_11 : vector<10112x1xf32> to vector<10112x128xf32>
    %mul3A_29 = arith.mulf %dot_general3A_27, %mul3A_28 : vector<10112x128xf32>
    %swap3A = arith.constant 0 : index
    %swap3A_30 = arith.constant 0 : index
    %swap3A_31 = vector.load %arg4[%swap3A, %swap3A_30] : memref<10112x128xf32, #tpu.memory_space<vmem>>, vector<10112x128xf32>
    tpu.vector_store %arg4[%swap3A, %swap3A_30], %mul3A_29 {strides = array<i32>} : memref<10112x128xf32, #tpu.memory_space<vmem>>, vector<10112x128xf32>,
    return
  }
}

module attributes {stable_mosaic.version = 14 : i64} {
  func.func @_tc_final_body(%arg0: memref<2x10112x128xf32, #tpu.memory_space<vmem>>, %arg1: memref<10112x1xf32, #tpu.memory_space<vmem>>, %arg2: memref<128xf32, #tpu.memory_space<vmem>>, %arg3: memref<128x128xf32, #tpu.memory_space<vmem>>, %arg4: memref<128xf32, #tpu.memory_space<vmem>>, %arg5: memref<10112x128xf32, #tpu.memory_space<vmem>>, %arg6: memref<10112x128xf32, #tpu.memory_space<vmem>>) attributes {dimension_semantics = [], scalar_prefetch = 0 : i64, scratch_operands = 0 : i64, tpu.core_type = #tpu.core_type<tc>} {
    %get3A = arith.constant 0 : index
    %get3A_0 = arith.constant 0 : index
    %get3A_1 = arith.constant 0 : index
    %get3A_2 = vector.load %arg0[%get3A, %get3A_0, %get3A_1] : memref<2x10112x128xf32, #tpu.memory_space<vmem>>, vector<1x10112x128xf32>
    %get3A_3 = vector.shape_cast %get3A_2 : vector<1x10112x128xf32> to vector<10112x128xf32>
    %get3A_4 = arith.constant 1 : index
    %get3A_5 = arith.constant 0 : index
    %get3A_6 = arith.constant 0 : index
    %get3A_7 = vector.load %arg0[%get3A_4, %get3A_5, %get3A_6] : memref<2x10112x128xf32, #tpu.memory_space<vmem>>, vector<1x10112x128xf32>
    %get3A_8 = vector.shape_cast %get3A_7 : vector<1x10112x128xf32> to vector<10112x128xf32>
    %add3A = arith.addf %get3A_3, %get3A_8 : vector<10112x128xf32>
    %get3A_9 = arith.constant 0 : index
    %get3A_10 = arith.constant 0 : index
    %get3A_11 = vector.load %arg1[%get3A_9, %get3A_10] : memref<10112x1xf32, #tpu.memory_space<vmem>>, vector<10112x1xf32>
    %mul3A = vector.broadcast %get3A_11 : vector<10112x1xf32> to vector<10112x128xf32>
    %mul3A_12 = arith.mulf %add3A, %mul3A : vector<10112x128xf32>
    %get3A_13 = arith.constant 0 : index
    %get3A_14 = vector.load %arg2[%get3A_13] : memref<128xf32, #tpu.memory_space<vmem>>, vector<128xf32>
    %broadcast_in_dim3A = vector.shape_cast %get3A_14 : vector<128xf32> to vector<1x128xf32>
    %add3A_15 = vector.broadcast %broadcast_in_dim3A : vector<1x128xf32> to vector<10112x128xf32>
    %add3A_16 = arith.addf %mul3A_12, %add3A_15 : vector<10112x128xf32>
    %swap3A = arith.constant 0 : index
    %swap3A_17 = arith.constant 0 : index
    %swap3A_18 = vector.load %arg5[%swap3A, %swap3A_17] : memref<10112x128xf32, #tpu.memory_space<vmem>>, vector<10112x128xf32>
    tpu.vector_store %arg5[%swap3A, %swap3A_17], %add3A_16 {strides = array<i32>} : memref<10112x128xf32, #tpu.memory_space<vmem>>, vector<10112x128xf32>,
    %get3A_19 = arith.constant 0 : index
    %get3A_20 = arith.constant 0 : index
    %get3A_21 = vector.load %arg3[%get3A_19, %get3A_20] : memref<128x128xf32, #tpu.memory_space<vmem>>, vector<128x128xf32>
    %dot_general3A = arith.constant dense<0.000000e+00> : vector<10112x128xf32>
    %dot_general3A_22 = tpu.matmul %add3A_16, %get3A_21, %dot_general3A {dimension_numbers = #tpu.dot_dimension_numbers<[1], [0], [0], [1], [0, 0, 1, 1], [], []>, transpose_lhs_hint = false} : vector<10112x128xf32>, vector<128x128xf32>, vector<10112x128xf32> -> vector<10112x128xf32>
    %get3A_23 = arith.constant 0 : index
    %get3A_24 = vector.load %arg4[%get3A_23] : memref<128xf32, #tpu.memory_space<vmem>>, vector<128xf32>
    %broadcast_in_dim3A_25 = vector.shape_cast %get3A_24 : vector<128xf32> to vector<1x128xf32>
    %add3A_26 = vector.broadcast %broadcast_in_dim3A_25 : vector<1x128xf32> to vector<10112x128xf32>
    %add3A_27 = arith.addf %dot_general3A_22, %add3A_26 : vector<10112x128xf32>
    %logistic3A = arith.negf %add3A_27 : vector<10112x128xf32>
    %logistic3A_28 = math.exp %logistic3A : vector<10112x128xf32>
    %logistic3A_29 = arith.constant 1.000000e+00 : f32
    %logistic3A_30 = vector.broadcast %logistic3A_29 : f32 to vector<10112x128xf32>
    %logistic3A_31 = arith.addf %logistic3A_30, %logistic3A_28 : vector<10112x128xf32>
    %logistic3A_32 = arith.divf %logistic3A_30, %logistic3A_31 : vector<10112x128xf32>
    %swap3A_33 = arith.constant 0 : index
    %swap3A_34 = arith.constant 0 : index
    %swap3A_35 = vector.load %arg6[%swap3A_33, %swap3A_34] : memref<10112x128xf32, #tpu.memory_space<vmem>>, vector<10112x128xf32>
    tpu.vector_store %arg6[%swap3A_33, %swap3A_34], %logistic3A_32 {strides = array<i32>} : memref<10112x128xf32, #tpu.memory_space<vmem>>, vector<10112x128xf32>,
    return
  }
}

</mosaic_0001>

<sc_bundles>
// kernel: kernel.10.cloned.1.call-start
scs
__scs_entry_jumppad:
0x0: {  	(pc) =	sbr.rel $0x88, $3  }
0x1: {  	(tag) =	ssettag $0x0;
	lr =	simm.s32 $0x1  }
0x2: {  	[smem:$0x3F97] =	sst lr;
	_ =	strace $0xD0000000  }
0x3: {  	_ = 	snop  }
0x4: {  	_ = 	snop  }
0x5: {  	_ = 	snop  }
0x6: {  	_ = 	snop  }
0x7: {  	_ = 	snop  }
__scs_overlays_trampoline_lowered:
0x8: {  	[smem:$0x3FA6] =	sst s0  }
0x9: {  	[smem:$0x3FA7] =	sst s1  }
0xa: {  	[smem:$0x3FA8] =	sst s2  }
0xb: {  	[smem:$0x3FA9] =	sst s3  }
0xc: {  	[smem:$0x3FAA] =	sst s4  }
0xd: {  	[smem:$0x3FAB] =	sst s5  }
0xe: {  	[smem:$0x3FAC] =	sst s6  }
0xf: {  	[smem:$0x3FAD] =	sst s7  }
0x10: {  	[smem:$0x3FAE] =	sst s8  }
0x11: {  	[smem:$0x3FAF] =	sst s9;
	s0 =	simm.s32 @!p0 $0x0  }
0x12: {  	s1 =	sld [smem:$0x3F95];
	s0 =	simm.s32 @p0 $0x1  }
0x13: {  	[smem:$0x3FB0] =	sst s0;
	s0 =	simm.s32 @!p1 $0x0  }
0x14: {  	s2 =	sld [smem:$0x3F94];
	s0 =	simm.s32 @p1 $0x1  }
0x15: {  	[smem:$0x3FB1] =	sst s0;
	s0 =	simm.s32 @!p2 $0x0  }
0x16: {  	s3 =	sld [smem:$0x3FDB];
	s0 =	simm.s32 @p2 $0x1  }
0x17: {  	s4 =	simm.s32 $0x1BF5;
	[smem:$0x3FB3] =	sst s0  }
0x18: {  	s0 =	sld [smem:$0x3F96];
	_ =	swait.ge [sflag:s4], $0x0  }
0x19: {  	s7 =	sld [smem:$0x3F97]  }
0x1a: {  	s8 =	sadd.s32 $0xFFFFE003, lr  }
0x1b: {  	s9 =	sadd.s32 $0xFFFFFEF7, lr;
	s5 =	simm.s32 $0xFFFFFFFF;
	p2 =	slt.u32 s8, $0xFFFFF086  }
0x1c: {  	p1 =	slt.u32 s9, $0xF7A;
	s5 =	simm.s32 @!p2 $0x0  }
0x1d: {  	s5 =	simm.s32 @p1 $0x1;
	p0 =	seq.s32 s7, s2  }
0x1e: {  	s7 =	smul.u32 @!p0 $0xF7A, s2;
	p2 =	seq.s32 @!p0 s5, $0x0  }
0x1f: {  	s9 =	smul.u32 $0xF7A, s1;
	s8 =	simm.s32 @!p0 $0x1BF5;
	p2 =	por !p2, p0  }
0x20: {  	[sflag:s8] =	ssyncset.s32 @!p0 $0xFFFFF086;
	s6 =	sadd.s32 @!p0 s3, s7;
	s7 =	simm.s32 @!p0 $0x108  }
0x21: {  	s3 =	sadd.s32 s3, s9;
	s6 =	sadd.s32 @!p0 $0x88, s6;
	s7 =	simm.s32 @p2 $0x1082  }
0x22: {  	[simem:s7], [sflag:s8] =	dma.local @!p0 [hbm:s6], $0xF7A  }
0x23: {  	s9 =	sor.u32 $0xD0000000, s2;
	s6 =	simm.s32 $0x108;
	_ =	swait.ge @!p0 [sflag:s8], $0x0  }
0x24: {  	s3 =	sadd.s32 $0x88, s3;
	s6 =	simm.s32 @!p1 $0x1082;
	[sflag:s4] =	ssyncset.s32 $0xFFFFF086  }
0x25: {  	[simem:s6], [sflag:s4] =	dma.local [hbm:s3], $0xF7A  }
0x26: {  	[smem:$0x3F97] =	sst s1;
	(tag) =	ssettag s2;
	_ =	strace s9  }
0x27: {  	s1 =	sld [smem:$0x3FA7]  }
0x28: {  	s2 =	sld [smem:$0x3FA8]  }
0x29: {  	s4 =	sld [smem:$0x3FAA]  }
0x2a: {  	p0 =	seq.s32 s5, $0x0;
	s5 =	sld [smem:$0x3FAB]  }
0x2b: {  	s6 =	sld [smem:$0x3FAC]  }
0x2c: {  	s7 =	sld [smem:$0x3FAD]  }
0x2d: {  	s3 =	simm.s32 $0x108;
	s8 =	sld [smem:$0x3FAE]  }
0x2e: {  	s3 =	simm.s32 @!p0 $0x1082;
	s9 =	sld [smem:$0x3FAF]  }
0x2f: {  	lr =	sadd.s32 s0, s3;
	s0 =	sld [smem:$0x3FA6]  }
0x30: {  	s3 =	sld [smem:$0x3FA9]  }
0x31: {  	[smem:$0x3FB2] =	sst s10  }
0x32: {  	s10 =	sld [smem:$0x3FB0];
	_ =	sdelay $0x3  }
0x33: {  	p0 =	seq.s32 s10, $0x1;
	s10 =	sld [smem:$0x3FB2];
	_ =	sdelay $0x3  }
0x34: {  	[smem:$0x3FB2] =	sst s10  }
0x35: {  	s10 =	sld [smem:$0x3FB1];
	_ =	sdelay $0x3  }
0x36: {  	p1 =	seq.s32 s10, $0x1;
	s10 =	sld [smem:$0x3FB2];
	_ =	sdelay $0x3  }
0x37: {  	[smem:$0x3FB2] =	sst s10  }
0x38: {  	s10 =	sld [smem:$0x3FB3]  }
0x39: {  	_ = 	snop;
	(pc) =	sbr.ind lr, $3  }
0x3a: {  	_ = 	snop  }
0x3b: {  	_ = 	snop  }
0x3c: {  	p2 =	seq.s32 s10, $0x1;
	s10 =	sld [smem:$0x3FB2]  }
0x3d: {  	_ =	shalt  }
0x3e: {  	_ =	shalt  }
0x3f: {  	_ =	shalt  }
0x40: {  	_ =	shalt  }
0x41: {  	_ =	shalt  }
0x42: {  	_ =	shalt  }
0x43: {  	_ =	shalt  }
0x44: {  	_ =	shalt  }
0x45: {  	_ =	shalt  }
0x46: {  	_ =	shalt  }
0x47: {  	_ =	shalt  }
0x48: {  	_ =	shalt  }
0x49: {  	_ =	shalt  }
0x4a: {  	_ =	shalt  }
0x4b: {  	_ =	shalt  }
0x4c: {  	_ =	shalt  }
0x4d: {  	_ =	shalt  }
0x4e: {  	_ =	shalt  }
0x4f: {  	_ =	shalt  }
0x50: {  	_ =	shalt  }
0x51: {  	_ =	shalt  }
0x52: {  	_ =	shalt  }
0x53: {  	_ =	shalt  }
0x54: {  	_ =	shalt  }
0x55: {  	_ =	shalt  }
0x56: {  	_ =	shalt  }
0x57: {  	_ =	shalt  }
0x58: {  	_ =	shalt  }
0x59: {  	_ =	shalt  }
0x5a: {  	_ =	shalt  }
0x5b: {  	_ =	shalt  }
0x5c: {  	_ =	shalt  }
0x5d: {  	_ =	shalt  }
0x5e: {  	_ =	shalt  }
0x5f: {  	_ =	shalt  }
0x60: {  	_ =	shalt  }
0x61: {  	_ =	shalt  }
0x62: {  	_ =	shalt  }
0x63: {  	_ =	shalt  }
0x64: {  	_ =	shalt  }
0x65: {  	_ =	shalt  }
0x66: {  	_ =	shalt  }
0x67: {  	_ =	shalt  }
0x68: {  	_ =	shalt  }
0x69: {  	_ =	shalt  }
0x6a: {  	_ =	shalt  }
0x6b: {  	_ =	shalt  }
0x6c: {  	_ =	shalt  }
0x6d: {  	_ =	shalt  }
0x6e: {  	_ =	shalt  }
0x6f: {  	_ =	shalt  }
0x70: {  	_ =	shalt  }
0x71: {  	_ =	shalt  }
0x72: {  	_ =	shalt  }
0x73: {  	_ =	shalt  }
0x74: {  	_ =	shalt  }
0x75: {  	_ =	shalt  }
0x76: {  	_ =	shalt  }
0x77: {  	_ =	shalt  }
0x78: {  	_ =	shalt  }
0x79: {  	_ =	shalt  }
0x7a: {  	_ =	shalt  }
0x7b: {  	_ =	shalt  }
0x7c: {  	_ =	shalt  }
0x7d: {  	_ =	shalt  }
0x7e: {  	_ =	shalt  }
0x7f: {  	_ =	shalt  }
0x80: {  	_ =	shalt  }
0x81: {  	_ =	shalt  }
0x82: {  	_ =	shalt  }
0x83: {  	_ =	shalt  }
0x84: {  	_ =	shalt  }
0x85: {  	_ =	shalt  }
0x86: {  	_ =	shalt  }
0x87: {  	_ =	shalt  }
.Lfunc_end0:
.L_simem_size_0:
called_computation_lowered:
.L_overlay_start_0:
0x88: {  	s2 =	sld [smem:$0x3FD9]  }
0x89: {  	s3 =	sld [smem:$0x3FFE];
	_ =	sdelay $0x1  }
0x8a: {  	s1 =	srdreg.scid  }
0x8b: {  	s0 =	sand.u32 $0x1, s1  }
0x8c: {  	s14 =	sshll.u32 s0, $0xA;
	s2 =	sadd.s32 s3, s2  }
0x8d: {  	s2 =	sadd.s32 s2, s14  }
0x8e: {  	[smem:$0x3FBE] =	sst s2  }
0x8f: {  	_ = 	snop  }
0x90: {  	s2 =	sld [smem:$0x3FD0];
	_ =	sdelay $0x2  }
0x91: {  	s15 =	simm.s32 $0xA;
	s4 =	simm.s32 $0x10  }
0x92: {  	[smem:s4], [sflag:s15] =	dma.local [hbm:s2], $0x1  }
0x93: {  	_ =	swait.eq [sflag:s15], $0x1  }
0x94: {  	[sflag:s15] =	ssyncset.done $0x0  }
0x95: {  	[sflag:s15] =	ssyncadd.s32 $0xFFFFFFFF  }
0x96: {  	s16 =	sld [smem:$0x11];
	(tm) =	ssettm $0x1  }
0x97: {  	s17 =	sld [smem:$0x3FFB];
	_ =	sdelay $0x3  }
0x98: {  	_ =	strace s17  }
0x99: {  	s3 =	sld [smem:$0x3FFC];
	_ =	sdelay $0x3  }
0x9a: {  	_ =	strace s3  }
0x9b: {  	s3 =	sld [smem:$0x3FFD];
	_ =	sdelay $0x3  }
0x9c: {  	_ =	strace s3  }
0x9d: {  	_ =	strace $0x8FFFFFFF  }
0x9e: {  	s18 =	sld [smem:$0x3FDB];
	_ =	sdelay $0x1  }
0x9f: {  	s19 =	simm.s32 $_scs_section_size  }
0xa0: {  	s5 =	simm.s32 $_size__tile_overlayer_lowered;
	s6 =	simm.s32 $_tile_overlayer_lowered  }
0xa1: {  	s22 =	simm.s32 $0x1BFF;
	s21 =	sshll.u32 s6, $0x1;
	s3 =	sadd.s32 s19, s18  }
0xa2: {  	s7 =	simm.s32 $0x0;
	s20 =	sshll.u32 s5, $0x1;
	s5 =	sadd.s32 s21, s3  }
0xa3: {  	[timem:s7], [sflag:s22] =	dma.local [hbm:s5], s20  }
0xa4: {  	_ =	swait.ge [sflag:s22], s20  }
0xa5: {  	s4 =	ssub.s32 $0x0, s20;
	[sflag:s22] =	ssyncset.done $0x0  }
0xa6: {  	[sflag:s22] =	ssyncadd.s32 s4;
	_ =	sdelay $0x1  }
0xa7: {  	s23 =	simm.s32 $0x1B8B  }
0xa8: {  	_ =	swait.ge [sflag:s23], $0x1  }
0xa9: {  	[sflag:s23] =	ssyncset.done $0x0  }
0xaa: {  	s25 =	simm.s32 $0x1B8E;
	s24 =	sld [smem:$0x3FFE];
	[sflag:s23] =	ssyncadd.s32 $0xFFFFFFFF  }
0xab: {  	s26 =	simm.s32 $execute0_lowered;
	[smem:$0x3FD2] =	sst s25  }
0xac: {  	s5 =	sshll.u32 s26, $0x1;
	_ =	strace $0x80000046;
	[dreg:$0x1] =	wrdreg $0xFFFFFFFF  }
0xad: {  	s28 =	simm.s32 $_size_execute0_lowered;
	s3 =	sadd.s32 s3, s5;
	[dreg:$0x0] =	wrdreg $0x0  }
0xae: {  	s5 =	sshll.u32 s28, $0x1;
	[dreg:$0x2] =	wrdreg s3  }
0xaf: {  	[dreg:$0x3] =	wrdreg s5  }
0xb0: {  	[dreg:$0x4] =	wrdreg $0xC0  }
0xb1: {  	_ =	task [dreg:s7], $0x5FFFF  }
0xb2: {  	[dreg:$0x1] =	wrdreg $0xFFFFFFFF  }
0xb3: {  	[dreg:$0x0] =	wrdreg $0x60  }
0xb4: {  	[dreg:$0x2] =	wrdreg s16  }
0xb5: {  	[dreg:$0x3] =	wrdreg s24  }
0xb6: {  	[dreg:$0x4] =	wrdreg $0x6C000  }
0xb7: {  	[dreg:$0x5] =	wrdreg $0x9  }
0xb8: {  	_ =	task.clear_ibuf [dreg:s7], $0x6FFFF;
	_ =	strace $0x90000046  }
0xb9: {  	s29 =	simm.s32 $0x9;
	_ =	strace $0x80000048  }
0xba: {  	_ =	swait.ge [sflag:s29], $0x1  }
0xbb: {  	[sflag:s29] =	ssyncadd.s32 $0xFFFFFFFF  }
0xbc: {  	_ =	strace $0x90000048  }
0xbd: {  	_ =	sfence  }
0xbe: {  	s30 =	sld [smem:$0x0];
	_ =	sdelay $0x2  }
0xbf: {  	s31 =	sshll.u32 s1, $0xD;
	s1 =	sshrl.u32 s1, $0x2  }
0xc0: {  	s3 =	sand.u32 $0x4000, s31;
	s1 =	sadd.s32 s1, s30  }
0xc1: {  	s0 =	sor.u32 s3, s0;
	s1 =	sshll.u32 s1, $0x11  }
0xc2: {  	s0 =	sor.u32 s1, s0  }
0xc3: {  	s0 =	sadd.s32 $0x8F2B, s0  }
0xc4: {  	[sflag:s0] =	ssyncadd.remote.s32 $0x1  }
0xc5: {  	_ =	sfence.sel $0xFFFF  }
0xc6: {  	[dreg:$0x0] =	wrdreg $0xFFFFFFFF;
	(pc) =	sbr.abs _section_cstart, $3  }
0xc7: {  	[dreg:$0x1] =	wrdreg $0xFFFFFFFF  }
0xc8: {  	_ =	task.clear_ibuf [dreg:s7], $0x2FFFF;
	_ =	strace $0x9FFFFFFF  }
0xc9: {  	(tm) =	ssettm $0x7FFFFFFF  }
tec
execute0_lowered:
.L_overlay_start_1:
0x0: {  	(tag) =	ssettag $0x1  }
0x1: {  	s6 =	rddreg [dreg:$0x0]  }
0x2: {  	s7 =	rddreg [dreg:$0x1]  }
0x3: {  	s1 =	rddreg [dreg:$0x2]  }
0x4: {  	s0 =	rddreg [dreg:$0x3];
	s3 =	simm.s32 $0x0;
	s2 =	srdreg.scid  }
0x5: {  	s13 =	simm.s32 $0x80;
	[smem:$0x7FF] =	sst s3;
	s8 =	sand.u32 $0x1, s2  }
0x6: {  	s14 =	simm.s32 $0x0;
	s2 =	stileid.u32;
	s9 =	smul.u32 $0x13C000, s8  }
0x7: {  	s4 =	sadd.s32 $0x5600, s7;
	s5 =	sadd.s32 $0x2E00, s7;
	s10 =	smul.u32 $0x13C00, s2  }
0x8: {  	_ =	strace $0x80000047;
	s11 =	sshll.u32 s2, $0x1;
	s29 =	smul.u32 $0x4F000, s2  }
0x9: {  	s31 =	sshll.u32 s2, $0x6;
	s28 =	sor.u32 s8, s11;
	s8 =	ssub.s32 $0x2, s8  }
0xa: {  	s9 =	sadd.s32 s10, s9;
	s10 =	smul.u32 $0x580, s28;
	s30 =	sshrl.u32 s8, $0x1  }
0xb: {  	s11 =	sshrl.u32 s29, $0x2;
	s9 =	sshrl.u32 s9, $0x3;
	s8 =	ssub.s32 s8, s30  }
0xc: {  	s12 =	sadd.s32 s11, s1;
	s11 =	sor.u32 $0x1C01, s31;
	s7 =	sadd.s32 s9, s7  }
0xd: {  	s6 =	sadd.s32 s6, s10;
	s8 =	smax.u32 s8, $0x1;
	s9 =	simm.s32 $0x1  }
0xe: {  	s10 =	simm.s32 $0x2C00;
	s12 =	sshrl.u32 s12, $0x3;
	s7 =	sadd.s32 $0x5E00, s7  }
.LBB2_1:
0xf: {  	[tilespmem:s3], [sflag:$0x1] =	stream.linear.gather [hbm4b:s6+s3], $0x2880, $0x38;
	[tilespmem:$0x1A800] =	vst v63  }
0x10: {  	_ =	swait.ge [sflag:s9], $0x2880  }
0x11: {  	[sflag:s9] =	ssyncset.done $0x0  }
0x12: {  	[sflag:s9] =	ssyncadd.s32 $0xFFFFD780  }
0x13: {  	[tilespmem:s10], [sflag:$0x1] =	stream.linear.gather [hbm4b:s4+s3], $0x4000, $0x38;
	[tilespmem:$0x1A800] =	vst v63  }
0x14: {  	_ =	swait.ge [sflag:s9], $0x4000  }
0x15: {  	[sflag:s9] =	ssyncset.done $0x0  }
0x16: {  	[sflag:s9] =	ssyncadd.s32 $0xFFFFC000  }
0x17: {  	[spmem:s12], [sflag:s11] =	dma.local [hbm:s5], $0x2780  }
0x18: {  	_ =	swait.ge [sflag:s9], $0x2780  }
0x19: {  	[sflag:s9] =	ssyncset.done $0x0  }
0x1a: {  	[sflag:s9] =	ssyncadd.s32 $0xFFFFD880  }
0x1b: {  	s15 =	simm.s32 $0x0;
	[bflag:$0x0] =	sbarrier.arrive $0xFFFF  }
0x1c: {  	[spmem:s1] =	stream.indirect.scatter.add.f32 [tilespmem:s10], [sflag:$0x1], $0x80, s15, s13, $0xb8;
	[tilespmem:$0x1A800] =	vst v63  }
0x1d: {  	_ =	swait.ge [sflag:s9], $0x4000  }
0x1e: {  	s15 =	simm.s32 $0x200;
	[sflag:s9] =	ssyncset.done $0x0  }
.LBB2_2:
0x1f: {  	s16 =	sshra.s32 s15, $0x2;
	[sflag:s9] =	ssyncadd.s32 $0xFFFFC000;
	p0 =	sne.s32 s15, $0xA000  }
0x20: {  	[spmem:s1] =	stream.indirect.scatter.add.f32 [tilespmem:s10], [sflag:$0x1], $0x80, s16, s13, $0xb8;
	[tilespmem:$0x1A800] =	vst v63  }
.Ltmp0:
0x21: {  	_ = 	snop;
	(pc) =	sbr.rel @p0 .LBB2_2-.Ltmp0, $4  }
0x22: {  	_ = 	snop  }
0x23: {  	s15 =	sadd.s32 $0x200, s15  }
0x24: {  	_ =	swait.ge [sflag:s9], $0x4000  }
0x25: {  	[sflag:s9] =	ssyncset.done $0x0  }
0x26: {  	s14 =	sadd.s32 $0x1, s14  }
0x27: {  	[sflag:s9] =	ssyncadd.s32 $0xFFFFC000;
	p0 =	sne.s32 s14, s8  }
.Ltmp1:
0x28: {  	[bflag:$0x0] =	sbarrier.arrive $0xFFFF;
	(pc) =	sbr.rel @p0 .LBB2_1-.Ltmp1, $4  }
0x29: {  	[hbm:s7], [sflag:s11] =	dma.local [spmem:s12], $0x2780  }
0x2a: {  	_ =	swait.ge [sflag:s9], $0x2780  }
0x2b: {  	[sflag:s9] =	ssyncset.done $0x0  }
0x2c: {  	[sflag:s9] =	ssyncadd.s32 $0xFFFFD880  }
0x2d: {  	_ =	sfence.sel $0x180000  }
0x2e: {  	[bflag:$0x0] =	sbarrier.arrive $0xFFFF  }
0x2f: {  	p0 =	sne.s32 s2, $0x0;
	_ =	strace $0x90000047  }
0x30: {  	s0 =	sadd.s32 @!p0 $0x100000, s0;
	[bflag:$0x2] =	sbarrier.arrive $0xFFFF  }
0x31: {  	[sflag:s0] =	ssyncadd.tile.s32 @!p0 $0x1;
	_ =	shalt  }
.Lfunc_end2:
_tile_overlayer_lowered:
.L_overlay_start_2:
0x32: {  	(tag) =	ssettag $0x2  }
0x33: {  	s0 =	rddreg [dreg:$0x0];
	s2 =	stileid.u32  }
0x34: {  	s1 =	rddreg [dreg:$0x1];
	p0 =	sne.s32 s2, $0x0  }
0x35: {  	s3 =	rddreg [dreg:$0x2];
	[bflag:$0x3] =	sbarrier.arrive $0xFFFF;
	s2 =	simm.s32 @!p0 $0x1C01  }
0x36: {  	[timem:s3], [sflag:s2] =	dma.local @!p0 [hbm:s0], s1  }
0x37: {  	s0 =	simm.s32 @!p0 $0x1  }
0x38: {  	_ =	swait.ge @!p0 [sflag:s0], s1  }
0x39: {  	s1 =	ssub.s32 @!p0 $0x0, s1;
	[sflag:s0] =	ssyncset.done @!p0 $0x0  }
0x3a: {  	[sflag:s0] =	ssyncadd.s32 @!p0 s1  }
0x3b: {  	[bflag:$0x3] =	sbarrier.arrive $0xFFFF  }
0x3c: {  	_ =	shalt  }

// kernel: kernel.13.cloned.1.call-start
scs
__scs_entry_jumppad:
0x0: {  	(pc) =	sbr.rel $0x88, $3  }
0x1: {  	(tag) =	ssettag $0x0;
	lr =	simm.s32 $0x1  }
0x2: {  	[smem:$0x3F97] =	sst lr;
	_ =	strace $0xD0000000  }
0x3: {  	_ = 	snop  }
0x4: {  	_ = 	snop  }
0x5: {  	_ = 	snop  }
0x6: {  	_ = 	snop  }
0x7: {  	_ = 	snop  }
__scs_overlays_trampoline_lowered:
0x8: {  	[smem:$0x3FA6] =	sst s0  }
0x9: {  	[smem:$0x3FA7] =	sst s1  }
0xa: {  	[smem:$0x3FA8] =	sst s2  }
0xb: {  	[smem:$0x3FA9] =	sst s3  }
0xc: {  	[smem:$0x3FAA] =	sst s4  }
0xd: {  	[smem:$0x3FAB] =	sst s5  }
0xe: {  	[smem:$0x3FAC] =	sst s6  }
0xf: {  	[smem:$0x3FAD] =	sst s7  }
0x10: {  	[smem:$0x3FAE] =	sst s8  }
0x11: {  	[smem:$0x3FAF] =	sst s9;
	s0 =	simm.s32 @!p0 $0x0  }
0x12: {  	s1 =	sld [smem:$0x3F95];
	s0 =	simm.s32 @p0 $0x1  }
0x13: {  	[smem:$0x3FB0] =	sst s0;
	s0 =	simm.s32 @!p1 $0x0  }
0x14: {  	s2 =	sld [smem:$0x3F94];
	s0 =	simm.s32 @p1 $0x1  }
0x15: {  	[smem:$0x3FB1] =	sst s0;
	s0 =	simm.s32 @!p2 $0x0  }
0x16: {  	s3 =	sld [smem:$0x3FDB];
	s0 =	simm.s32 @p2 $0x1  }
0x17: {  	s4 =	simm.s32 $0x1BF5;
	[smem:$0x3FB3] =	sst s0  }
0x18: {  	s0 =	sld [smem:$0x3F96];
	_ =	swait.ge [sflag:s4], $0x0  }
0x19: {  	s7 =	sld [smem:$0x3F97]  }
0x1a: {  	s8 =	sadd.s32 $0xFFFFE003, lr  }
0x1b: {  	s9 =	sadd.s32 $0xFFFFFEF7, lr;
	s5 =	simm.s32 $0xFFFFFFFF;
	p2 =	slt.u32 s8, $0xFFFFF086  }
0x1c: {  	p1 =	slt.u32 s9, $0xF7A;
	s5 =	simm.s32 @!p2 $0x0  }
0x1d: {  	s5 =	simm.s32 @p1 $0x1;
	p0 =	seq.s32 s7, s2  }
0x1e: {  	s7 =	smul.u32 @!p0 $0xF7A, s2;
	p2 =	seq.s32 @!p0 s5, $0x0  }
0x1f: {  	s9 =	smul.u32 $0xF7A, s1;
	s8 =	simm.s32 @!p0 $0x1BF5;
	p2 =	por !p2, p0  }
0x20: {  	[sflag:s8] =	ssyncset.s32 @!p0 $0xFFFFF086;
	s6 =	sadd.s32 @!p0 s3, s7;
	s7 =	simm.s32 @!p0 $0x108  }
0x21: {  	s3 =	sadd.s32 s3, s9;
	s6 =	sadd.s32 @!p0 $0x88, s6;
	s7 =	simm.s32 @p2 $0x1082  }
0x22: {  	[simem:s7], [sflag:s8] =	dma.local @!p0 [hbm:s6], $0xF7A  }
0x23: {  	s9 =	sor.u32 $0xD0000000, s2;
	s6 =	simm.s32 $0x108;
	_ =	swait.ge @!p0 [sflag:s8], $0x0  }
0x24: {  	s3 =	sadd.s32 $0x88, s3;
	s6 =	simm.s32 @!p1 $0x1082;
	[sflag:s4] =	ssyncset.s32 $0xFFFFF086  }
0x25: {  	[simem:s6], [sflag:s4] =	dma.local [hbm:s3], $0xF7A  }
0x26: {  	[smem:$0x3F97] =	sst s1;
	(tag) =	ssettag s2;
	_ =	strace s9  }
0x27: {  	s1 =	sld [smem:$0x3FA7]  }
0x28: {  	s2 =	sld [smem:$0x3FA8]  }
0x29: {  	s4 =	sld [smem:$0x3FAA]  }
0x2a: {  	p0 =	seq.s32 s5, $0x0;
	s5 =	sld [smem:$0x3FAB]  }
0x2b: {  	s6 =	sld [smem:$0x3FAC]  }
0x2c: {  	s7 =	sld [smem:$0x3FAD]  }
0x2d: {  	s3 =	simm.s32 $0x108;
	s8 =	sld [smem:$0x3FAE]  }
0x2e: {  	s3 =	simm.s32 @!p0 $0x1082;
	s9 =	sld [smem:$0x3FAF]  }
0x2f: {  	lr =	sadd.s32 s0, s3;
	s0 =	sld [smem:$0x3FA6]  }
0x30: {  	s3 =	sld [smem:$0x3FA9]  }
0x31: {  	[smem:$0x3FB2] =	sst s10  }
0x32: {  	s10 =	sld [smem:$0x3FB0];
	_ =	sdelay $0x3  }
0x33: {  	p0 =	seq.s32 s10, $0x1;
	s10 =	sld [smem:$0x3FB2];
	_ =	sdelay $0x3  }
0x34: {  	[smem:$0x3FB2] =	sst s10  }
0x35: {  	s10 =	sld [smem:$0x3FB1];
	_ =	sdelay $0x3  }
0x36: {  	p1 =	seq.s32 s10, $0x1;
	s10 =	sld [smem:$0x3FB2];
	_ =	sdelay $0x3  }
0x37: {  	[smem:$0x3FB2] =	sst s10  }
0x38: {  	s10 =	sld [smem:$0x3FB3]  }
0x39: {  	_ = 	snop;
	(pc) =	sbr.ind lr, $3  }
0x3a: {  	_ = 	snop  }
0x3b: {  	_ = 	snop  }
0x3c: {  	p2 =	seq.s32 s10, $0x1;
	s10 =	sld [smem:$0x3FB2]  }
0x3d: {  	_ =	shalt  }
0x3e: {  	_ =	shalt  }
0x3f: {  	_ =	shalt  }
0x40: {  	_ =	shalt  }
0x41: {  	_ =	shalt  }
0x42: {  	_ =	shalt  }
0x43: {  	_ =	shalt  }
0x44: {  	_ =	shalt  }
0x45: {  	_ =	shalt  }
0x46: {  	_ =	shalt  }
0x47: {  	_ =	shalt  }
0x48: {  	_ =	shalt  }
0x49: {  	_ =	shalt  }
0x4a: {  	_ =	shalt  }
0x4b: {  	_ =	shalt  }
0x4c: {  	_ =	shalt  }
0x4d: {  	_ =	shalt  }
0x4e: {  	_ =	shalt  }
0x4f: {  	_ =	shalt  }
0x50: {  	_ =	shalt  }
0x51: {  	_ =	shalt  }
0x52: {  	_ =	shalt  }
0x53: {  	_ =	shalt  }
0x54: {  	_ =	shalt  }
0x55: {  	_ =	shalt  }
0x56: {  	_ =	shalt  }
0x57: {  	_ =	shalt  }
0x58: {  	_ =	shalt  }
0x59: {  	_ =	shalt  }
0x5a: {  	_ =	shalt  }
0x5b: {  	_ =	shalt  }
0x5c: {  	_ =	shalt  }
0x5d: {  	_ =	shalt  }
0x5e: {  	_ =	shalt  }
0x5f: {  	_ =	shalt  }
0x60: {  	_ =	shalt  }
0x61: {  	_ =	shalt  }
0x62: {  	_ =	shalt  }
0x63: {  	_ =	shalt  }
0x64: {  	_ =	shalt  }
0x65: {  	_ =	shalt  }
0x66: {  	_ =	shalt  }
0x67: {  	_ =	shalt  }
0x68: {  	_ =	shalt  }
0x69: {  	_ =	shalt  }
0x6a: {  	_ =	shalt  }
0x6b: {  	_ =	shalt  }
0x6c: {  	_ =	shalt  }
0x6d: {  	_ =	shalt  }
0x6e: {  	_ =	shalt  }
0x6f: {  	_ =	shalt  }
0x70: {  	_ =	shalt  }
0x71: {  	_ =	shalt  }
0x72: {  	_ =	shalt  }
0x73: {  	_ =	shalt  }
0x74: {  	_ =	shalt  }
0x75: {  	_ =	shalt  }
0x76: {  	_ =	shalt  }
0x77: {  	_ =	shalt  }
0x78: {  	_ =	shalt  }
0x79: {  	_ =	shalt  }
0x7a: {  	_ =	shalt  }
0x7b: {  	_ =	shalt  }
0x7c: {  	_ =	shalt  }
0x7d: {  	_ =	shalt  }
0x7e: {  	_ =	shalt  }
0x7f: {  	_ =	shalt  }
0x80: {  	_ =	shalt  }
0x81: {  	_ =	shalt  }
0x82: {  	_ =	shalt  }
0x83: {  	_ =	shalt  }
0x84: {  	_ =	shalt  }
0x85: {  	_ =	shalt  }
0x86: {  	_ =	shalt  }
0x87: {  	_ =	shalt  }
.Lfunc_end0:
.L_simem_size_0:
called_computation.1_lowered:
.L_overlay_start_0:
0x88: {  	s2 =	sld [smem:$0x3FD9]  }
0x89: {  	s3 =	sld [smem:$0x3FFE];
	_ =	sdelay $0x1  }
0x8a: {  	s1 =	srdreg.scid  }
0x8b: {  	s0 =	sand.u32 $0x1, s1  }
0x8c: {  	s14 =	sshll.u32 s0, $0xA;
	s2 =	sadd.s32 s3, s2  }
0x8d: {  	s2 =	sadd.s32 s2, s14  }
0x8e: {  	[smem:$0x3FBE] =	sst s2  }
0x8f: {  	_ = 	snop  }
0x90: {  	s2 =	sld [smem:$0x3FD0];
	_ =	sdelay $0x2  }
0x91: {  	s15 =	simm.s32 $0xA;
	s4 =	simm.s32 $0x10  }
0x92: {  	[smem:s4], [sflag:s15] =	dma.local [hbm:s2], $0x1  }
0x93: {  	_ =	swait.eq [sflag:s15], $0x1  }
0x94: {  	[sflag:s15] =	ssyncset.done $0x0  }
0x95: {  	s16 =	sld [smem:$0x10];
	[sflag:s15] =	ssyncadd.s32 $0xFFFFFFFF  }
0x96: {  	s17 =	sld [smem:$0x11];
	(tm) =	ssettm $0x1  }
0x97: {  	s18 =	sld [smem:$0x3FFB];
	_ =	sdelay $0x3  }
0x98: {  	_ =	strace s18  }
0x99: {  	s4 =	sld [smem:$0x3FFC];
	_ =	sdelay $0x3  }
0x9a: {  	_ =	strace s4  }
0x9b: {  	s4 =	sld [smem:$0x3FFD];
	_ =	sdelay $0x3  }
0x9c: {  	_ =	strace s4  }
0x9d: {  	_ =	strace $0x8FFFFFFF  }
0x9e: {  	s19 =	sld [smem:$0x3FDB];
	_ =	sdelay $0x1  }
0x9f: {  	s5 =	simm.s32 $_scs_section_size  }
0xa0: {  	s6 =	simm.s32 $_size__tile_overlayer_lowered;
	s7 =	simm.s32 $_tile_overlayer_lowered  }
0xa1: {  	s22 =	simm.s32 $0x1BFF;
	s21 =	sshll.u32 s7, $0x1;
	s4 =	sadd.s32 s5, s19  }
0xa2: {  	s8 =	simm.s32 $0x0;
	s20 =	sshll.u32 s6, $0x1;
	s6 =	sadd.s32 s21, s4  }
0xa3: {  	[timem:s8], [sflag:s22] =	dma.local [hbm:s6], s20  }
0xa4: {  	_ =	swait.ge [sflag:s22], s20  }
0xa5: {  	s5 =	ssub.s32 $0x0, s20;
	[sflag:s22] =	ssyncset.done $0x0  }
0xa6: {  	[sflag:s22] =	ssyncadd.s32 s5;
	_ =	sdelay $0x1  }
0xa7: {  	s23 =	simm.s32 $0x1B8B  }
0xa8: {  	_ =	swait.ge [sflag:s23], $0x1  }
0xa9: {  	[sflag:s23] =	ssyncset.done $0x0  }
0xaa: {  	s25 =	simm.s32 $0x1B8E;
	s24 =	sld [smem:$0x3FFE];
	[sflag:s23] =	ssyncadd.s32 $0xFFFFFFFF  }
0xab: {  	s26 =	simm.s32 $execute0_lowered;
	[smem:$0x3FD2] =	sst s25  }
0xac: {  	s6 =	sshll.u32 s26, $0x1;
	_ =	strace $0x80000049;
	[dreg:$0x1] =	wrdreg $0xFFFFFFFF  }
0xad: {  	s28 =	simm.s32 $_size_execute0_lowered;
	s4 =	sadd.s32 s4, s6;
	[dreg:$0x0] =	wrdreg $0x0  }
0xae: {  	s6 =	sshll.u32 s28, $0x1;
	[dreg:$0x2] =	wrdreg s4  }
0xaf: {  	[dreg:$0x3] =	wrdreg s6  }
0xb0: {  	[dreg:$0x4] =	wrdreg $0xC0  }
0xb1: {  	_ =	task [dreg:s8], $0x5FFFF  }
0xb2: {  	[dreg:$0x1] =	wrdreg $0xFFFFFFFF  }
0xb3: {  	[dreg:$0x0] =	wrdreg $0x60  }
0xb4: {  	[dreg:$0x2] =	wrdreg s24  }
0xb5: {  	[dreg:$0x3] =	wrdreg s16  }
0xb6: {  	[dreg:$0x4] =	wrdreg s17  }
0xb7: {  	[dreg:$0x5] =	wrdreg $0x98000  }
0xb8: {  	[dreg:$0x6] =	wrdreg $0x9  }
0xb9: {  	_ =	task.clear_ibuf [dreg:s8], $0x7FFFF;
	_ =	strace $0x90000049  }
0xba: {  	s29 =	simm.s32 $0x9;
	_ =	strace $0x8000004B  }
0xbb: {  	_ =	swait.ge [sflag:s29], $0x1  }
0xbc: {  	[sflag:s29] =	ssyncadd.s32 $0xFFFFFFFF  }
0xbd: {  	_ =	strace $0x9000004B  }
0xbe: {  	_ =	sfence  }
0xbf: {  	s30 =	sld [smem:$0x0];
	_ =	sdelay $0x2  }
0xc0: {  	s31 =	sshll.u32 s1, $0xD;
	s1 =	sshrl.u32 s1, $0x2  }
0xc1: {  	s3 =	sand.u32 $0x4000, s31;
	s1 =	sadd.s32 s1, s30  }
0xc2: {  	s0 =	sor.u32 s3, s0;
	s1 =	sshll.u32 s1, $0x11  }
0xc3: {  	s0 =	sor.u32 s1, s0  }
0xc4: {  	s0 =	sadd.s32 $0x8F2B, s0  }
0xc5: {  	[sflag:s0] =	ssyncadd.remote.s32 $0x1  }
0xc6: {  	_ =	sfence.sel $0xFFFF  }
0xc7: {  	[dreg:$0x0] =	wrdreg $0xFFFFFFFF;
	(pc) =	sbr.abs _section_cstart, $3  }
0xc8: {  	[dreg:$0x1] =	wrdreg $0xFFFFFFFF  }
0xc9: {  	_ =	task.clear_ibuf [dreg:s8], $0x2FFFF;
	_ =	strace $0x9FFFFFFF  }
0xca: {  	(tm) =	ssettm $0x7FFFFFFF  }
0xcb: {  	_ =	shalt  }
tec
execute0_lowered:
.L_overlay_start_1:
0x0: {  	(tag) =	ssettag $0x1  }
0x1: {  	s6 =	rddreg [dreg:$0x0]  }
0x2: {  	s7 =	rddreg [dreg:$0x1]  }
0x3: {  	s8 =	rddreg [dreg:$0x2]  }
0x4: {  	s1 =	rddreg [dreg:$0x3]  }
0x5: {  	s2 =	srdreg.scid;
	s0 =	rddreg [dreg:$0x4];
	s3 =	simm.s32 $0x0  }
0x6: {  	s14 =	simm.s32 $0x80;
	s15 =	simm.s32 $0x5800;
	s16 =	simm.s32 $0x1  }
0x7: {  	s17 =	simm.s32 $0x0;
	s5 =	sand.u32 $0x1, s2;
	s2 =	stileid.u32  }
0x8: {  	[smem:$0x7FF] =	sst s3;
	s4 =	sadd.s32 $0x5600, s6;
	s9 =	smul.u32 $0x13C000, s5  }
0x9: {  	s10 =	smul.u32 $0x13C00, s2;
	s11 =	sshll.u32 s2, $0x1;
	_ =	strace $0x8000004A  }
0xa: {  	s29 =	ssub.s32 $0x2, s5;
	s13 =	smul.u32 $0x4F000, s2;
	s31 =	sshll.u32 s2, $0x6  }
0xb: {  	s11 =	sor.u32 s5, s11;
	s12 =	sshrl.u32 s29, $0x1;
	s5 =	sadd.s32 $0x2E00, s6  }
0xc: {  	s9 =	sadd.s32 s10, s9;
	s11 =	smul.u32 $0x580, s11;
	s10 =	ssub.s32 s29, s12  }
0xd: {  	s30 =	sshrl.u32 s13, $0x2;
	s12 =	sor.u32 $0x1C02, s31;
	s9 =	sshrl.u32 s9, $0x3  }
0xe: {  	s13 =	sadd.s32 s30, s1;
	s9 =	sadd.s32 s9, s6;
	s6 =	sadd.s32 s7, s11  }
0xf: {  	s7 =	sadd.s32 s8, s11;
	s11 =	simm.s32 $0x2C00;
	s13 =	sshrl.u32 s13, $0x3  }
0x10: {  	s8 =	sadd.s32 $0x2CE00, s9;
	s9 =	smax.u32 s10, $0x1;
	s10 =	simm.s32 $0x2  }
.LBB2_1:
0x11: {  	[tilespmem:s3], [sflag:$0x2] =	stream.linear.gather [hbm4b:s6+s3], $0x2880, $0x38;
	[tilespmem:$0x1D400] =	vst v63  }
0x12: {  	_ =	swait.ge [sflag:s10], $0x2880  }
0x13: {  	[sflag:s10] =	ssyncset.done $0x0  }
0x14: {  	[sflag:s10] =	ssyncadd.s32 $0xFFFFD780  }
0x15: {  	[tilespmem:s11], [sflag:$0x2] =	stream.linear.gather [hbm4b:s7+s3], $0x2880, $0x38;
	[tilespmem:$0x1D400] =	vst v63  }
0x16: {  	_ =	swait.ge [sflag:s10], $0x2880  }
0x17: {  	[sflag:s10] =	ssyncset.done $0x0  }
0x18: {  	[sflag:s10] =	ssyncadd.s32 $0xFFFFD780  }
0x19: {  	[spmem:s13], [sflag:s12] =	dma.local [hbm:s5], $0x2780  }
0x1a: {  	_ =	swait.ge [sflag:s10], $0x2780  }
0x1b: {  	[sflag:s10] =	ssyncset.done $0x0  }
0x1c: {  	[sflag:s10] =	ssyncadd.s32 $0xFFFFD880  }
0x1d: {  	s18 =	simm.s32 $0x0;
	[bflag:$0x0] =	sbarrier.arrive $0xFFFF  }
0x1e: {  	[tilespmem:s15], [sflag:$0x1] =	stream.indirect.gather [hbm4b:s4+s14], $0x80, s18, s14, $0xb8;
	[tilespmem:$0x1D400] =	vst v63  }
0x1f: {  	_ =	swait.ge [sflag:s16], $0x4000  }
0x20: {  	[sflag:s16] =	ssyncset.done $0x0  }
0x21: {  	s31 =	simm.s32 $0x2C00;
	[sflag:s16] =	ssyncadd.s32 $0xFFFFC000  }
0x22: {  	[spmem:s1] =	stream.indirect.scatter.add.f32 [tilespmem:s15], [sflag:$0x2], $0x80, s31, s14, $0xb8;
	[tilespmem:$0x1D400] =	vst v63  }
0x23: {  	_ =	swait.ge [sflag:s10], $0x4000  }
0x24: {  	s19 =	simm.s32 $0x400;
	s18 =	simm.s32 $0x200;
	[sflag:s10] =	ssyncset.done $0x0  }
.LBB2_2:
0x25: {  	s20 =	sshra.s32 s18, $0x2  }
0x26: {  	[sflag:s10] =	ssyncadd.s32 $0xFFFFC000;
	s18 =	smov.u32 s19;
	s21 =	sadd.s32 $0x200, s19  }
0x27: {  	[tilespmem:s15], [sflag:$0x1] =	stream.indirect.gather [hbm4b:s4+s14], $0x80, s20, s14, $0xb8;
	[tilespmem:$0x1D400] =	vst v63  }
0x28: {  	p0 =	sne.s32 s19, $0xA000;
	_ =	swait.ge [sflag:s16], $0x4000  }
.Ltmp0:
0x29: {  	[sflag:s16] =	ssyncset.done $0x0;
	(pc) =	sbr.rel @p0 .LBB2_2-.Ltmp0, $4  }
0x2a: {  	s19 =	sadd.s32 $0x2C00, s20;
	[sflag:s16] =	ssyncadd.s32 $0xFFFFC000  }
0x2b: {  	[spmem:s1] =	stream.indirect.scatter.add.f32 [tilespmem:s15], [sflag:$0x2], $0x80, s19, s14, $0xb8;
	[tilespmem:$0x1D400] =	vst v63  }
0x2c: {  	_ =	swait.ge [sflag:s10], $0x4000  }
0x2d: {  	s19 =	smov.u32 s21;
	[sflag:s10] =	ssyncset.done $0x0  }
0x2e: {  	s18 =	sshra.s32 s18, $0x2;
	[sflag:s10] =	ssyncadd.s32 $0xFFFFC000  }
0x2f: {  	[tilespmem:s15], [sflag:$0x1] =	stream.indirect.gather [hbm4b:s4+s14], $0x80, s18, s14, $0xb8;
	[tilespmem:$0x1D400] =	vst v63  }
0x30: {  	_ =	swait.ge [sflag:s16], $0x4000  }
0x31: {  	[sflag:s16] =	ssyncset.done $0x0  }
0x32: {  	s18 =	sadd.s32 $0x2C00, s18;
	[sflag:s16] =	ssyncadd.s32 $0xFFFFC000  }
0x33: {  	[spmem:s1] =	stream.indirect.scatter.add.f32 [tilespmem:s15], [sflag:$0x2], $0x80, s18, s14, $0xb8;
	[tilespmem:$0x1D400] =	vst v63  }
0x34: {  	_ =	swait.ge [sflag:s10], $0x4000  }
0x35: {  	s17 =	sadd.s32 $0x1, s17;
	[sflag:s10] =	ssyncset.done $0x0  }
0x36: {  	p0 =	sne.s32 s17, s9;
	[sflag:s10] =	ssyncadd.s32 $0xFFFFC000  }
.Ltmp1:
0x37: {  	[bflag:$0x0] =	sbarrier.arrive $0xFFFF;
	(pc) =	sbr.rel @p0 .LBB2_1-.Ltmp1, $4  }
0x38: {  	[hbm:s8], [sflag:s12] =	dma.local [spmem:s13], $0x2780  }
0x39: {  	_ =	swait.ge [sflag:s10], $0x2780  }
0x3a: {  	[sflag:s10] =	ssyncset.done $0x0  }
0x3b: {  	[sflag:s10] =	ssyncadd.s32 $0xFFFFD880  }
0x3c: {  	_ =	sfence.sel $0x180000  }
0x3d: {  	[bflag:$0x0] =	sbarrier.arrive $0xFFFF  }
0x3e: {  	p0 =	sne.s32 s2, $0x0;
	_ =	strace $0x9000004A  }
0x3f: {  	s0 =	sadd.s32 @!p0 $0x100000, s0;
	[bflag:$0x2] =	sbarrier.arrive $0xFFFF  }
0x40: {  	[sflag:s0] =	ssyncadd.tile.s32 @!p0 $0x1;
	_ =	shalt  }
.Lfunc_end2:
_tile_overlayer_lowered:
.L_overlay_start_2:
0x41: {  	(tag) =	ssettag $0x2  }
0x42: {  	s0 =	rddreg [dreg:$0x0];
	s2 =	stileid.u32  }
0x43: {  	s1 =	rddreg [dreg:$0x1];
	p0 =	sne.s32 s2, $0x0  }
0x44: {  	s3 =	rddreg [dreg:$0x2];
	[bflag:$0x3] =	sbarrier.arrive $0xFFFF;
	s2 =	simm.s32 @!p0 $0x1C02  }
0x45: {  	[timem:s3], [sflag:s2] =	dma.local @!p0 [hbm:s0], s1  }
0x46: {  	s0 =	simm.s32 @!p0 $0x2  }
0x47: {  	_ =	swait.ge @!p0 [sflag:s0], s1  }
0x48: {  	s1 =	ssub.s32 @!p0 $0x0, s1;
	[sflag:s0] =	ssyncset.done @!p0 $0x0  }
0x49: {  	[sflag:s0] =	ssyncadd.s32 @!p0 s1  }
0x4a: {  	[bflag:$0x3] =	sbarrier.arrive $0xFFFF  }
0x4b: {  	_ =	shalt  }

// kernel: kernel.16.cloned.1.call-start
scs
__scs_entry_jumppad:
0x0: {  	(pc) =	sbr.rel $0x88, $3  }
0x1: {  	(tag) =	ssettag $0x0;
	lr =	simm.s32 $0x1  }
0x2: {  	[smem:$0x3F97] =	sst lr;
	_ =	strace $0xD0000000  }
0x3: {  	_ = 	snop  }
0x4: {  	_ = 	snop  }
0x5: {  	_ = 	snop  }
0x6: {  	_ = 	snop  }
0x7: {  	_ = 	snop  }
__scs_overlays_trampoline_lowered:
0x8: {  	[smem:$0x3FA6] =	sst s0  }
0x9: {  	[smem:$0x3FA7] =	sst s1  }
0xa: {  	[smem:$0x3FA8] =	sst s2  }
0xb: {  	[smem:$0x3FA9] =	sst s3  }
0xc: {  	[smem:$0x3FAA] =	sst s4  }
0xd: {  	[smem:$0x3FAB] =	sst s5  }
0xe: {  	[smem:$0x3FAC] =	sst s6  }
0xf: {  	[smem:$0x3FAD] =	sst s7  }
0x10: {  	[smem:$0x3FAE] =	sst s8  }
0x11: {  	[smem:$0x3FAF] =	sst s9;
	s0 =	simm.s32 @!p0 $0x0  }
0x12: {  	s1 =	sld [smem:$0x3F95];
	s0 =	simm.s32 @p0 $0x1  }
0x13: {  	[smem:$0x3FB0] =	sst s0;
	s0 =	simm.s32 @!p1 $0x0  }
0x14: {  	s2 =	sld [smem:$0x3F94];
	s0 =	simm.s32 @p1 $0x1  }
0x15: {  	[smem:$0x3FB1] =	sst s0;
	s0 =	simm.s32 @!p2 $0x0  }
0x16: {  	s3 =	sld [smem:$0x3FDB];
	s0 =	simm.s32 @p2 $0x1  }
0x17: {  	s4 =	simm.s32 $0x1BF5;
	[smem:$0x3FB3] =	sst s0  }
0x18: {  	s0 =	sld [smem:$0x3F96];
	_ =	swait.ge [sflag:s4], $0x0  }
0x19: {  	s7 =	sld [smem:$0x3F97]  }
0x1a: {  	s8 =	sadd.s32 $0xFFFFE003, lr  }
0x1b: {  	s9 =	sadd.s32 $0xFFFFFEF7, lr;
	s5 =	simm.s32 $0xFFFFFFFF;
	p2 =	slt.u32 s8, $0xFFFFF086  }
0x1c: {  	p1 =	slt.u32 s9, $0xF7A;
	s5 =	simm.s32 @!p2 $0x0  }
0x1d: {  	s5 =	simm.s32 @p1 $0x1;
	p0 =	seq.s32 s7, s2  }
0x1e: {  	s7 =	smul.u32 @!p0 $0xF7A, s2;
	p2 =	seq.s32 @!p0 s5, $0x0  }
0x1f: {  	s9 =	smul.u32 $0xF7A, s1;
	s8 =	simm.s32 @!p0 $0x1BF5;
	p2 =	por !p2, p0  }
0x20: {  	[sflag:s8] =	ssyncset.s32 @!p0 $0xFFFFF086;
	s6 =	sadd.s32 @!p0 s3, s7;
	s7 =	simm.s32 @!p0 $0x108  }
0x21: {  	s3 =	sadd.s32 s3, s9;
	s6 =	sadd.s32 @!p0 $0x88, s6;
	s7 =	simm.s32 @p2 $0x1082  }
0x22: {  	[simem:s7], [sflag:s8] =	dma.local @!p0 [hbm:s6], $0xF7A  }
0x23: {  	s9 =	sor.u32 $0xD0000000, s2;
	s6 =	simm.s32 $0x108;
	_ =	swait.ge @!p0 [sflag:s8], $0x0  }
0x24: {  	s3 =	sadd.s32 $0x88, s3;
	s6 =	simm.s32 @!p1 $0x1082;
	[sflag:s4] =	ssyncset.s32 $0xFFFFF086  }
0x25: {  	[simem:s6], [sflag:s4] =	dma.local [hbm:s3], $0xF7A  }
0x26: {  	[smem:$0x3F97] =	sst s1;
	(tag) =	ssettag s2;
	_ =	strace s9  }
0x27: {  	s1 =	sld [smem:$0x3FA7]  }
0x28: {  	s2 =	sld [smem:$0x3FA8]  }
0x29: {  	s4 =	sld [smem:$0x3FAA]  }
0x2a: {  	p0 =	seq.s32 s5, $0x0;
	s5 =	sld [smem:$0x3FAB]  }
0x2b: {  	s6 =	sld [smem:$0x3FAC]  }
0x2c: {  	s7 =	sld [smem:$0x3FAD]  }
0x2d: {  	s3 =	simm.s32 $0x108;
	s8 =	sld [smem:$0x3FAE]  }
0x2e: {  	s3 =	simm.s32 @!p0 $0x1082;
	s9 =	sld [smem:$0x3FAF]  }
0x2f: {  	lr =	sadd.s32 s0, s3;
	s0 =	sld [smem:$0x3FA6]  }
0x30: {  	s3 =	sld [smem:$0x3FA9]  }
0x31: {  	[smem:$0x3FB2] =	sst s10  }
0x32: {  	s10 =	sld [smem:$0x3FB0];
	_ =	sdelay $0x3  }
0x33: {  	p0 =	seq.s32 s10, $0x1;
	s10 =	sld [smem:$0x3FB2];
	_ =	sdelay $0x3  }
0x34: {  	[smem:$0x3FB2] =	sst s10  }
0x35: {  	s10 =	sld [smem:$0x3FB1];
	_ =	sdelay $0x3  }
0x36: {  	p1 =	seq.s32 s10, $0x1;
	s10 =	sld [smem:$0x3FB2];
	_ =	sdelay $0x3  }
0x37: {  	[smem:$0x3FB2] =	sst s10  }
0x38: {  	s10 =	sld [smem:$0x3FB3]  }
0x39: {  	_ = 	snop;
	(pc) =	sbr.ind lr, $3  }
0x3a: {  	_ = 	snop  }
0x3b: {  	_ = 	snop  }
0x3c: {  	p2 =	seq.s32 s10, $0x1;
	s10 =	sld [smem:$0x3FB2]  }
0x3d: {  	_ =	shalt  }
0x3e: {  	_ =	shalt  }
0x3f: {  	_ =	shalt  }
0x40: {  	_ =	shalt  }
0x41: {  	_ =	shalt  }
0x42: {  	_ =	shalt  }
0x43: {  	_ =	shalt  }
0x44: {  	_ =	shalt  }
0x45: {  	_ =	shalt  }
0x46: {  	_ =	shalt  }
0x47: {  	_ =	shalt  }
0x48: {  	_ =	shalt  }
0x49: {  	_ =	shalt  }
0x4a: {  	_ =	shalt  }
0x4b: {  	_ =	shalt  }
0x4c: {  	_ =	shalt  }
0x4d: {  	_ =	shalt  }
0x4e: {  	_ =	shalt  }
0x4f: {  	_ =	shalt  }
0x50: {  	_ =	shalt  }
0x51: {  	_ =	shalt  }
0x52: {  	_ =	shalt  }
0x53: {  	_ =	shalt  }
0x54: {  	_ =	shalt  }
0x55: {  	_ =	shalt  }
0x56: {  	_ =	shalt  }
0x57: {  	_ =	shalt  }
0x58: {  	_ =	shalt  }
0x59: {  	_ =	shalt  }
0x5a: {  	_ =	shalt  }
0x5b: {  	_ =	shalt  }
0x5c: {  	_ =	shalt  }
0x5d: {  	_ =	shalt  }
0x5e: {  	_ =	shalt  }
0x5f: {  	_ =	shalt  }
0x60: {  	_ =	shalt  }
0x61: {  	_ =	shalt  }
0x62: {  	_ =	shalt  }
0x63: {  	_ =	shalt  }
0x64: {  	_ =	shalt  }
0x65: {  	_ =	shalt  }
0x66: {  	_ =	shalt  }
0x67: {  	_ =	shalt  }
0x68: {  	_ =	shalt  }
0x69: {  	_ =	shalt  }
0x6a: {  	_ =	shalt  }
0x6b: {  	_ =	shalt  }
0x6c: {  	_ =	shalt  }
0x6d: {  	_ =	shalt  }
0x6e: {  	_ =	shalt  }
0x6f: {  	_ =	shalt  }
0x70: {  	_ =	shalt  }
0x71: {  	_ =	shalt  }
0x72: {  	_ =	shalt  }
0x73: {  	_ =	shalt  }
0x74: {  	_ =	shalt  }
0x75: {  	_ =	shalt  }
0x76: {  	_ =	shalt  }
0x77: {  	_ =	shalt  }
0x78: {  	_ =	shalt  }
0x79: {  	_ =	shalt  }
0x7a: {  	_ =	shalt  }
0x7b: {  	_ =	shalt  }
0x7c: {  	_ =	shalt  }
0x7d: {  	_ =	shalt  }
0x7e: {  	_ =	shalt  }
0x7f: {  	_ =	shalt  }
0x80: {  	_ =	shalt  }
0x81: {  	_ =	shalt  }
0x82: {  	_ =	shalt  }
0x83: {  	_ =	shalt  }
0x84: {  	_ =	shalt  }
0x85: {  	_ =	shalt  }
0x86: {  	_ =	shalt  }
0x87: {  	_ =	shalt  }
.Lfunc_end0:
.L_simem_size_0:
called_computation.2_lowered:
.L_overlay_start_0:
0x88: {  	s2 =	sld [smem:$0x3FD9]  }
0x89: {  	s3 =	sld [smem:$0x3FFE];
	_ =	sdelay $0x1  }
0x8a: {  	s1 =	srdreg.scid  }
0x8b: {  	s0 =	sand.u32 $0x1, s1  }
0x8c: {  	s14 =	sshll.u32 s0, $0xA;
	s2 =	sadd.s32 s3, s2  }
0x8d: {  	s2 =	sadd.s32 s2, s14  }
0x8e: {  	[smem:$0x3FBE] =	sst s2  }
0x8f: {  	_ = 	snop  }
0x90: {  	s2 =	sld [smem:$0x3FD0];
	_ =	sdelay $0x2  }
0x91: {  	s15 =	simm.s32 $0xA;
	s4 =	simm.s32 $0x10  }
0x92: {  	[smem:s4], [sflag:s15] =	dma.local [hbm:s2], $0x1  }
0x93: {  	_ =	swait.eq [sflag:s15], $0x1  }
0x94: {  	[sflag:s15] =	ssyncset.done $0x0  }
0x95: {  	s16 =	sld [smem:$0x10];
	[sflag:s15] =	ssyncadd.s32 $0xFFFFFFFF  }
0x96: {  	s17 =	sld [smem:$0x11];
	(tm) =	ssettm $0x1  }
0x97: {  	s18 =	sld [smem:$0x3FFB];
	_ =	sdelay $0x3  }
0x98: {  	_ =	strace s18  }
0x99: {  	s4 =	sld [smem:$0x3FFC];
	_ =	sdelay $0x3  }
0x9a: {  	_ =	strace s4  }
0x9b: {  	s4 =	sld [smem:$0x3FFD];
	_ =	sdelay $0x3  }
0x9c: {  	_ =	strace s4  }
0x9d: {  	_ =	strace $0x8FFFFFFF  }
0x9e: {  	s19 =	sld [smem:$0x3FDB];
	_ =	sdelay $0x1  }
0x9f: {  	s5 =	simm.s32 $_scs_section_size  }
0xa0: {  	s6 =	simm.s32 $_size__tile_overlayer_lowered;
	s7 =	simm.s32 $_tile_overlayer_lowered  }
0xa1: {  	s22 =	simm.s32 $0x1BFF;
	s21 =	sshll.u32 s7, $0x1;
	s4 =	sadd.s32 s5, s19  }
0xa2: {  	s8 =	simm.s32 $0x0;
	s20 =	sshll.u32 s6, $0x1;
	s6 =	sadd.s32 s21, s4  }
0xa3: {  	[timem:s8], [sflag:s22] =	dma.local [hbm:s6], s20  }
0xa4: {  	_ =	swait.ge [sflag:s22], s20  }
0xa5: {  	s5 =	ssub.s32 $0x0, s20;
	[sflag:s22] =	ssyncset.done $0x0  }
0xa6: {  	[sflag:s22] =	ssyncadd.s32 s5;
	_ =	sdelay $0x1  }
0xa7: {  	s23 =	simm.s32 $0x1B8B  }
0xa8: {  	_ =	swait.ge [sflag:s23], $0x1  }
0xa9: {  	[sflag:s23] =	ssyncset.done $0x0  }
0xaa: {  	s25 =	simm.s32 $0x1B8E;
	s24 =	sld [smem:$0x3FFE];
	[sflag:s23] =	ssyncadd.s32 $0xFFFFFFFF  }
0xab: {  	s26 =	simm.s32 $execute0_lowered;
	[smem:$0x3FD2] =	sst s25  }
0xac: {  	s6 =	sshll.u32 s26, $0x1;
	_ =	strace $0x8000004C;
	[dreg:$0x1] =	wrdreg $0xFFFFFFFF  }
0xad: {  	s28 =	simm.s32 $_size_execute0_lowered;
	s4 =	sadd.s32 s4, s6;
	[dreg:$0x0] =	wrdreg $0x0  }
0xae: {  	s6 =	sshll.u32 s28, $0x1;
	[dreg:$0x2] =	wrdreg s4  }
0xaf: {  	[dreg:$0x3] =	wrdreg s6  }
0xb0: {  	[dreg:$0x4] =	wrdreg $0xC0  }
0xb1: {  	_ =	task [dreg:s8], $0x5FFFF  }
0xb2: {  	[dreg:$0x1] =	wrdreg $0xFFFFFFFF  }
0xb3: {  	[dreg:$0x0] =	wrdreg $0x60  }
0xb4: {  	[dreg:$0x2] =	wrdreg s24  }
0xb5: {  	[dreg:$0x3] =	wrdreg s16  }
0xb6: {  	[dreg:$0x4] =	wrdreg s17  }
0xb7: {  	[dreg:$0x5] =	wrdreg $0x98000  }
0xb8: {  	[dreg:$0x6] =	wrdreg $0x9  }
0xb9: {  	_ =	task.clear_ibuf [dreg:s8], $0x7FFFF;
	_ =	strace $0x9000004C  }
0xba: {  	s29 =	simm.s32 $0x9;
	_ =	strace $0x8000004E  }
0xbb: {  	_ =	swait.ge [sflag:s29], $0x1  }
0xbc: {  	[sflag:s29] =	ssyncadd.s32 $0xFFFFFFFF  }
0xbd: {  	_ =	strace $0x9000004E  }
0xbe: {  	_ =	sfence  }
0xbf: {  	s30 =	sld [smem:$0x0];
	_ =	sdelay $0x2  }
0xc0: {  	s31 =	sshll.u32 s1, $0xD;
	s1 =	sshrl.u32 s1, $0x2  }
0xc1: {  	s3 =	sand.u32 $0x4000, s31;
	s1 =	sadd.s32 s1, s30  }
0xc2: {  	s0 =	sor.u32 s3, s0;
	s1 =	sshll.u32 s1, $0x11  }
0xc3: {  	s0 =	sor.u32 s1, s0  }
0xc4: {  	s0 =	sadd.s32 $0x8F2B, s0  }
0xc5: {  	[sflag:s0] =	ssyncadd.remote.s32 $0x1  }
0xc6: {  	_ =	sfence.sel $0xFFFF  }
0xc7: {  	[dreg:$0x0] =	wrdreg $0xFFFFFFFF;
	(pc) =	sbr.abs _section_cstart, $3  }
0xc8: {  	[dreg:$0x1] =	wrdreg $0xFFFFFFFF  }
0xc9: {  	_ =	task.clear_ibuf [dreg:s8], $0x2FFFF;
	_ =	strace $0x9FFFFFFF  }
0xca: {  	(tm) =	ssettm $0x7FFFFFFF  }
0xcb: {  	_ =	shalt  }
tec
execute0_lowered:
.L_overlay_start_1:
0x0: {  	(tag) =	ssettag $0x1  }
0x1: {  	s6 =	rddreg [dreg:$0x0]  }
0x2: {  	s7 =	rddreg [dreg:$0x1]  }
0x3: {  	s8 =	rddreg [dreg:$0x2]  }
0x4: {  	s1 =	rddreg [dreg:$0x3]  }
0x5: {  	s2 =	srdreg.scid;
	s0 =	rddreg [dreg:$0x4];
	s3 =	simm.s32 $0x0  }
0x6: {  	s14 =	simm.s32 $0x80;
	s15 =	simm.s32 $0x5800;
	s16 =	simm.s32 $0x1  }
0x7: {  	s17 =	simm.s32 $0x0;
	s5 =	sand.u32 $0x1, s2;
	s2 =	stileid.u32  }
0x8: {  	[smem:$0x7FF] =	sst s3;
	s4 =	sadd.s32 $0x5600, s6;
	s9 =	smul.u32 $0x13C000, s5  }
0x9: {  	s10 =	smul.u32 $0x13C00, s2;
	s11 =	sshll.u32 s2, $0x1;
	_ =	strace $0x8000004D  }
0xa: {  	s29 =	ssub.s32 $0x2, s5;
	s13 =	smul.u32 $0x4F000, s2;
	s31 =	sshll.u32 s2, $0x6  }
0xb: {  	s11 =	sor.u32 s5, s11;
	s12 =	sshrl.u32 s29, $0x1;
	s5 =	sadd.s32 $0x2E00, s6  }
0xc: {  	s9 =	sadd.s32 s10, s9;
	s11 =	smul.u32 $0x580, s11;
	s10 =	ssub.s32 s29, s12  }
0xd: {  	s30 =	sshrl.u32 s13, $0x2;
	s12 =	sor.u32 $0x1C02, s31;
	s9 =	sshrl.u32 s9, $0x3  }
0xe: {  	s13 =	sadd.s32 s30, s1;
	s9 =	sadd.s32 s9, s6;
	s6 =	sadd.s32 s7, s11  }
0xf: {  	s7 =	sadd.s32 s8, s11;
	s11 =	simm.s32 $0x2C00;
	s13 =	sshrl.u32 s13, $0x3  }
0x10: {  	s8 =	sadd.s32 $0x2CE00, s9;
	s9 =	smax.u32 s10, $0x1;
	s10 =	simm.s32 $0x2  }
.LBB2_1:
0x11: {  	[tilespmem:s3], [sflag:$0x2] =	stream.linear.gather [hbm4b:s6+s3], $0x2880, $0x38;
	[tilespmem:$0x1D400] =	vst v63  }
0x12: {  	_ =	swait.ge [sflag:s10], $0x2880  }
0x13: {  	[sflag:s10] =	ssyncset.done $0x0  }
0x14: {  	[sflag:s10] =	ssyncadd.s32 $0xFFFFD780  }
0x15: {  	[tilespmem:s11], [sflag:$0x2] =	stream.linear.gather [hbm4b:s7+s3], $0x2880, $0x38;
	[tilespmem:$0x1D400] =	vst v63  }
0x16: {  	_ =	swait.ge [sflag:s10], $0x2880  }
0x17: {  	[sflag:s10] =	ssyncset.done $0x0  }
0x18: {  	[sflag:s10] =	ssyncadd.s32 $0xFFFFD780  }
0x19: {  	[spmem:s13], [sflag:s12] =	dma.local [hbm:s5], $0x2780  }
0x1a: {  	_ =	swait.ge [sflag:s10], $0x2780  }
0x1b: {  	[sflag:s10] =	ssyncset.done $0x0  }
0x1c: {  	[sflag:s10] =	ssyncadd.s32 $0xFFFFD880  }
0x1d: {  	s18 =	simm.s32 $0x0;
	[bflag:$0x0] =	sbarrier.arrive $0xFFFF  }
0x1e: {  	[tilespmem:s15], [sflag:$0x1] =	stream.indirect.gather [hbm4b:s4+s14], $0x80, s18, s14, $0xb8;
	[tilespmem:$0x1D400] =	vst v63  }
0x1f: {  	_ =	swait.ge [sflag:s16], $0x4000  }
0x20: {  	[sflag:s16] =	ssyncset.done $0x0  }
0x21: {  	s31 =	simm.s32 $0x2C00;
	[sflag:s16] =	ssyncadd.s32 $0xFFFFC000  }
0x22: {  	[spmem:s1] =	stream.indirect.scatter.add.f32 [tilespmem:s15], [sflag:$0x2], $0x80, s31, s14, $0xb8;
	[tilespmem:$0x1D400] =	vst v63  }
0x23: {  	_ =	swait.ge [sflag:s10], $0x4000  }
0x24: {  	s19 =	simm.s32 $0x400;
	s18 =	simm.s32 $0x200;
	[sflag:s10] =	ssyncset.done $0x0  }
.LBB2_2:
0x25: {  	s20 =	sshra.s32 s18, $0x2  }
0x26: {  	[sflag:s10] =	ssyncadd.s32 $0xFFFFC000;
	s18 =	smov.u32 s19;
	s21 =	sadd.s32 $0x200, s19  }
0x27: {  	[tilespmem:s15], [sflag:$0x1] =	stream.indirect.gather [hbm4b:s4+s14], $0x80, s20, s14, $0xb8;
	[tilespmem:$0x1D400] =	vst v63  }
0x28: {  	p0 =	sne.s32 s19, $0xA000;
	_ =	swait.ge [sflag:s16], $0x4000  }
.Ltmp0:
0x29: {  	[sflag:s16] =	ssyncset.done $0x0;
	(pc) =	sbr.rel @p0 .LBB2_2-.Ltmp0, $4  }
0x2a: {  	s19 =	sadd.s32 $0x2C00, s20;
	[sflag:s16] =	ssyncadd.s32 $0xFFFFC000  }
0x2b: {  	[spmem:s1] =	stream.indirect.scatter.add.f32 [tilespmem:s15], [sflag:$0x2], $0x80, s19, s14, $0xb8;
	[tilespmem:$0x1D400] =	vst v63  }
0x2c: {  	_ =	swait.ge [sflag:s10], $0x4000  }
0x2d: {  	s19 =	smov.u32 s21;
	[sflag:s10] =	ssyncset.done $0x0  }
0x2e: {  	s18 =	sshra.s32 s18, $0x2;
	[sflag:s10] =	ssyncadd.s32 $0xFFFFC000  }
0x2f: {  	[tilespmem:s15], [sflag:$0x1] =	stream.indirect.gather [hbm4b:s4+s14], $0x80, s18, s14, $0xb8;
	[tilespmem:$0x1D400] =	vst v63  }
0x30: {  	_ =	swait.ge [sflag:s16], $0x4000  }
0x31: {  	[sflag:s16] =	ssyncset.done $0x0  }
0x32: {  	s18 =	sadd.s32 $0x2C00, s18;
	[sflag:s16] =	ssyncadd.s32 $0xFFFFC000  }
0x33: {  	[spmem:s1] =	stream.indirect.scatter.add.f32 [tilespmem:s15], [sflag:$0x2], $0x80, s18, s14, $0xb8;
	[tilespmem:$0x1D400] =	vst v63  }
0x34: {  	_ =	swait.ge [sflag:s10], $0x4000  }
0x35: {  	s17 =	sadd.s32 $0x1, s17;
	[sflag:s10] =	ssyncset.done $0x0  }
0x36: {  	p0 =	sne.s32 s17, s9;
	[sflag:s10] =	ssyncadd.s32 $0xFFFFC000  }
.Ltmp1:
0x37: {  	[bflag:$0x0] =	sbarrier.arrive $0xFFFF;
	(pc) =	sbr.rel @p0 .LBB2_1-.Ltmp1, $4  }
0x38: {  	[hbm:s8], [sflag:s12] =	dma.local [spmem:s13], $0x2780  }
0x39: {  	_ =	swait.ge [sflag:s10], $0x2780  }
0x3a: {  	[sflag:s10] =	ssyncset.done $0x0  }
0x3b: {  	[sflag:s10] =	ssyncadd.s32 $0xFFFFD880  }
0x3c: {  	_ =	sfence.sel $0x180000  }
0x3d: {  	[bflag:$0x0] =	sbarrier.arrive $0xFFFF  }
0x3e: {  	p0 =	sne.s32 s2, $0x0;
	_ =	strace $0x9000004D  }
0x3f: {  	s0 =	sadd.s32 @!p0 $0x100000, s0;
	[bflag:$0x2] =	sbarrier.arrive $0xFFFF  }
0x40: {  	[sflag:s0] =	ssyncadd.tile.s32 @!p0 $0x1;
	_ =	shalt  }
.Lfunc_end2:
_tile_overlayer_lowered:
.L_overlay_start_2:
0x41: {  	(tag) =	ssettag $0x2  }
0x42: {  	s0 =	rddreg [dreg:$0x0];
	s2 =	stileid.u32  }
0x43: {  	s1 =	rddreg [dreg:$0x1];
	p0 =	sne.s32 s2, $0x0  }
0x44: {  	s3 =	rddreg [dreg:$0x2];
	[bflag:$0x3] =	sbarrier.arrive $0xFFFF;
	s2 =	simm.s32 @!p0 $0x1C02  }
0x45: {  	[timem:s3], [sflag:s2] =	dma.local @!p0 [hbm:s0], s1  }
0x46: {  	s0 =	simm.s32 @!p0 $0x2  }
0x47: {  	_ =	swait.ge @!p0 [sflag:s0], s1  }
0x48: {  	s1 =	ssub.s32 @!p0 $0x0, s1;
	[sflag:s0] =	ssyncset.done @!p0 $0x0  }
0x49: {  	[sflag:s0] =	ssyncadd.s32 @!p0 s1  }
0x4a: {  	[bflag:$0x3] =	sbarrier.arrive $0xFFFF  }
0x4b: {  	_ =	shalt  }

// kernel: kernel.19.cloned.1.call-start
scs
__scs_entry_jumppad:
0x0: {  	(pc) =	sbr.rel $0x88, $3  }
0x1: {  	(tag) =	ssettag $0x0;
	lr =	simm.s32 $0x1  }
0x2: {  	[smem:$0x3F97] =	sst lr;
	_ =	strace $0xD0000000  }
0x3: {  	_ = 	snop  }
0x4: {  	_ = 	snop  }
0x5: {  	_ = 	snop  }
0x6: {  	_ = 	snop  }
0x7: {  	_ = 	snop  }
__scs_overlays_trampoline_lowered:
0x8: {  	[smem:$0x3FA6] =	sst s0  }
0x9: {  	[smem:$0x3FA7] =	sst s1  }
0xa: {  	[smem:$0x3FA8] =	sst s2  }
0xb: {  	[smem:$0x3FA9] =	sst s3  }
0xc: {  	[smem:$0x3FAA] =	sst s4  }
0xd: {  	[smem:$0x3FAB] =	sst s5  }
0xe: {  	[smem:$0x3FAC] =	sst s6  }
0xf: {  	[smem:$0x3FAD] =	sst s7  }
0x10: {  	[smem:$0x3FAE] =	sst s8  }
0x11: {  	[smem:$0x3FAF] =	sst s9;
	s0 =	simm.s32 @!p0 $0x0  }
0x12: {  	s1 =	sld [smem:$0x3F95];
	s0 =	simm.s32 @p0 $0x1  }
0x13: {  	[smem:$0x3FB0] =	sst s0;
	s0 =	simm.s32 @!p1 $0x0  }
0x14: {  	s2 =	sld [smem:$0x3F94];
	s0 =	simm.s32 @p1 $0x1  }
0x15: {  	[smem:$0x3FB1] =	sst s0;
	s0 =	simm.s32 @!p2 $0x0  }
0x16: {  	s3 =	sld [smem:$0x3FDB];
	s0 =	simm.s32 @p2 $0x1  }
0x17: {  	s4 =	simm.s32 $0x1BF5;
	[smem:$0x3FB3] =	sst s0  }
0x18: {  	s0 =	sld [smem:$0x3F96];
	_ =	swait.ge [sflag:s4], $0x0  }
0x19: {  	s7 =	sld [smem:$0x3F97]  }
0x1a: {  	s8 =	sadd.s32 $0xFFFFE003, lr  }
0x1b: {  	s9 =	sadd.s32 $0xFFFFFEF7, lr;
	s5 =	simm.s32 $0xFFFFFFFF;
	p2 =	slt.u32 s8, $0xFFFFF086  }
0x1c: {  	p1 =	slt.u32 s9, $0xF7A;
	s5 =	simm.s32 @!p2 $0x0  }
0x1d: {  	s5 =	simm.s32 @p1 $0x1;
	p0 =	seq.s32 s7, s2  }
0x1e: {  	s7 =	smul.u32 @!p0 $0xF7A, s2;
	p2 =	seq.s32 @!p0 s5, $0x0  }
0x1f: {  	s9 =	smul.u32 $0xF7A, s1;
	s8 =	simm.s32 @!p0 $0x1BF5;
	p2 =	por !p2, p0  }
0x20: {  	[sflag:s8] =	ssyncset.s32 @!p0 $0xFFFFF086;
	s6 =	sadd.s32 @!p0 s3, s7;
	s7 =	simm.s32 @!p0 $0x108  }
0x21: {  	s3 =	sadd.s32 s3, s9;
	s6 =	sadd.s32 @!p0 $0x88, s6;
	s7 =	simm.s32 @p2 $0x1082  }
0x22: {  	[simem:s7], [sflag:s8] =	dma.local @!p0 [hbm:s6], $0xF7A  }
0x23: {  	s9 =	sor.u32 $0xD0000000, s2;
	s6 =	simm.s32 $0x108;
	_ =	swait.ge @!p0 [sflag:s8], $0x0  }
0x24: {  	s3 =	sadd.s32 $0x88, s3;
	s6 =	simm.s32 @!p1 $0x1082;
	[sflag:s4] =	ssyncset.s32 $0xFFFFF086  }
0x25: {  	[simem:s6], [sflag:s4] =	dma.local [hbm:s3], $0xF7A  }
0x26: {  	[smem:$0x3F97] =	sst s1;
	(tag) =	ssettag s2;
	_ =	strace s9  }
0x27: {  	s1 =	sld [smem:$0x3FA7]  }
0x28: {  	s2 =	sld [smem:$0x3FA8]  }
0x29: {  	s4 =	sld [smem:$0x3FAA]  }
0x2a: {  	p0 =	seq.s32 s5, $0x0;
	s5 =	sld [smem:$0x3FAB]  }
0x2b: {  	s6 =	sld [smem:$0x3FAC]  }
0x2c: {  	s7 =	sld [smem:$0x3FAD]  }
0x2d: {  	s3 =	simm.s32 $0x108;
	s8 =	sld [smem:$0x3FAE]  }
0x2e: {  	s3 =	simm.s32 @!p0 $0x1082;
	s9 =	sld [smem:$0x3FAF]  }
0x2f: {  	lr =	sadd.s32 s0, s3;
	s0 =	sld [smem:$0x3FA6]  }
0x30: {  	s3 =	sld [smem:$0x3FA9]  }
0x31: {  	[smem:$0x3FB2] =	sst s10  }
0x32: {  	s10 =	sld [smem:$0x3FB0];
	_ =	sdelay $0x3  }
0x33: {  	p0 =	seq.s32 s10, $0x1;
	s10 =	sld [smem:$0x3FB2];
	_ =	sdelay $0x3  }
0x34: {  	[smem:$0x3FB2] =	sst s10  }
0x35: {  	s10 =	sld [smem:$0x3FB1];
	_ =	sdelay $0x3  }
0x36: {  	p1 =	seq.s32 s10, $0x1;
	s10 =	sld [smem:$0x3FB2];
	_ =	sdelay $0x3  }
0x37: {  	[smem:$0x3FB2] =	sst s10  }
0x38: {  	s10 =	sld [smem:$0x3FB3]  }
0x39: {  	_ = 	snop;
	(pc) =	sbr.ind lr, $3  }
0x3a: {  	_ = 	snop  }
0x3b: {  	_ = 	snop  }
0x3c: {  	p2 =	seq.s32 s10, $0x1;
	s10 =	sld [smem:$0x3FB2]  }
0x3d: {  	_ =	shalt  }
0x3e: {  	_ =	shalt  }
0x3f: {  	_ =	shalt  }
0x40: {  	_ =	shalt  }
0x41: {  	_ =	shalt  }
0x42: {  	_ =	shalt  }
0x43: {  	_ =	shalt  }
0x44: {  	_ =	shalt  }
0x45: {  	_ =	shalt  }
0x46: {  	_ =	shalt  }
0x47: {  	_ =	shalt  }
0x48: {  	_ =	shalt  }
0x49: {  	_ =	shalt  }
0x4a: {  	_ =	shalt  }
0x4b: {  	_ =	shalt  }
0x4c: {  	_ =	shalt  }
0x4d: {  	_ =	shalt  }
0x4e: {  	_ =	shalt  }
0x4f: {  	_ =	shalt  }
0x50: {  	_ =	shalt  }
0x51: {  	_ =	shalt  }
0x52: {  	_ =	shalt  }
0x53: {  	_ =	shalt  }
0x54: {  	_ =	shalt  }
0x55: {  	_ =	shalt  }
0x56: {  	_ =	shalt  }
0x57: {  	_ =	shalt  }
0x58: {  	_ =	shalt  }
0x59: {  	_ =	shalt  }
0x5a: {  	_ =	shalt  }
0x5b: {  	_ =	shalt  }
0x5c: {  	_ =	shalt  }
0x5d: {  	_ =	shalt  }
0x5e: {  	_ =	shalt  }
0x5f: {  	_ =	shalt  }
0x60: {  	_ =	shalt  }
0x61: {  	_ =	shalt  }
0x62: {  	_ =	shalt  }
0x63: {  	_ =	shalt  }
0x64: {  	_ =	shalt  }
0x65: {  	_ =	shalt  }
0x66: {  	_ =	shalt  }
0x67: {  	_ =	shalt  }
0x68: {  	_ =	shalt  }
0x69: {  	_ =	shalt  }
0x6a: {  	_ =	shalt  }
0x6b: {  	_ =	shalt  }
0x6c: {  	_ =	shalt  }
0x6d: {  	_ =	shalt  }
0x6e: {  	_ =	shalt  }
0x6f: {  	_ =	shalt  }
0x70: {  	_ =	shalt  }
0x71: {  	_ =	shalt  }
0x72: {  	_ =	shalt  }
0x73: {  	_ =	shalt  }
0x74: {  	_ =	shalt  }
0x75: {  	_ =	shalt  }
0x76: {  	_ =	shalt  }
0x77: {  	_ =	shalt  }
0x78: {  	_ =	shalt  }
0x79: {  	_ =	shalt  }
0x7a: {  	_ =	shalt  }
0x7b: {  	_ =	shalt  }
0x7c: {  	_ =	shalt  }
0x7d: {  	_ =	shalt  }
0x7e: {  	_ =	shalt  }
0x7f: {  	_ =	shalt  }
0x80: {  	_ =	shalt  }
0x81: {  	_ =	shalt  }
0x82: {  	_ =	shalt  }
0x83: {  	_ =	shalt  }
0x84: {  	_ =	shalt  }
0x85: {  	_ =	shalt  }
0x86: {  	_ =	shalt  }
0x87: {  	_ =	shalt  }
.Lfunc_end0:
.L_simem_size_0:
called_computation.3_lowered:
.L_overlay_start_0:
0x88: {  	s2 =	sld [smem:$0x3FD9]  }
0x89: {  	s3 =	sld [smem:$0x3FFE];
	_ =	sdelay $0x1  }
0x8a: {  	s1 =	srdreg.scid  }
0x8b: {  	s0 =	sand.u32 $0x1, s1  }
0x8c: {  	s14 =	sshll.u32 s0, $0xA;
	s2 =	sadd.s32 s3, s2  }
0x8d: {  	s2 =	sadd.s32 s2, s14  }
0x8e: {  	[smem:$0x3FBE] =	sst s2  }
0x8f: {  	_ = 	snop  }
0x90: {  	s2 =	sld [smem:$0x3FD0];
	_ =	sdelay $0x2  }
0x91: {  	s15 =	simm.s32 $0xA;
	s4 =	simm.s32 $0x10  }
0x92: {  	[smem:s4], [sflag:s15] =	dma.local [hbm:s2], $0x1  }
0x93: {  	_ =	swait.eq [sflag:s15], $0x1  }
0x94: {  	[sflag:s15] =	ssyncset.done $0x0  }
0x95: {  	s16 =	sld [smem:$0x10];
	[sflag:s15] =	ssyncadd.s32 $0xFFFFFFFF  }
0x96: {  	s17 =	sld [smem:$0x11];
	(tm) =	ssettm $0x1  }
0x97: {  	s18 =	sld [smem:$0x3FFB];
	_ =	sdelay $0x3  }
0x98: {  	_ =	strace s18  }
0x99: {  	s4 =	sld [smem:$0x3FFC];
	_ =	sdelay $0x3  }
0x9a: {  	_ =	strace s4  }
0x9b: {  	s4 =	sld [smem:$0x3FFD];
	_ =	sdelay $0x3  }
0x9c: {  	_ =	strace s4  }
0x9d: {  	_ =	strace $0x8FFFFFFF  }
0x9e: {  	s19 =	sld [smem:$0x3FDB];
	_ =	sdelay $0x1  }
0x9f: {  	s5 =	simm.s32 $_scs_section_size  }
0xa0: {  	s6 =	simm.s32 $_size__tile_overlayer_lowered;
	s7 =	simm.s32 $_tile_overlayer_lowered  }
0xa1: {  	s22 =	simm.s32 $0x1BFF;
	s21 =	sshll.u32 s7, $0x1;
	s4 =	sadd.s32 s5, s19  }
0xa2: {  	s8 =	simm.s32 $0x0;
	s20 =	sshll.u32 s6, $0x1;
	s6 =	sadd.s32 s21, s4  }
0xa3: {  	[timem:s8], [sflag:s22] =	dma.local [hbm:s6], s20  }
0xa4: {  	_ =	swait.ge [sflag:s22], s20  }
0xa5: {  	s5 =	ssub.s32 $0x0, s20;
	[sflag:s22] =	ssyncset.done $0x0  }
0xa6: {  	[sflag:s22] =	ssyncadd.s32 s5;
	_ =	sdelay $0x1  }
0xa7: {  	s23 =	simm.s32 $0x1B8B  }
0xa8: {  	_ =	swait.ge [sflag:s23], $0x1  }
0xa9: {  	[sflag:s23] =	ssyncset.done $0x0  }
0xaa: {  	s25 =	simm.s32 $0x1B8E;
	s24 =	sld [smem:$0x3FFE];
	[sflag:s23] =	ssyncadd.s32 $0xFFFFFFFF  }
0xab: {  	s26 =	simm.s32 $execute0_lowered;
	[smem:$0x3FD2] =	sst s25  }
0xac: {  	s6 =	sshll.u32 s26, $0x1;
	_ =	strace $0x8000004F;
	[dreg:$0x1] =	wrdreg $0xFFFFFFFF  }
0xad: {  	s28 =	simm.s32 $_size_execute0_lowered;
	s4 =	sadd.s32 s4, s6;
	[dreg:$0x0] =	wrdreg $0x0  }
0xae: {  	s6 =	sshll.u32 s28, $0x1;
	[dreg:$0x2] =	wrdreg s4  }
0xaf: {  	[dreg:$0x3] =	wrdreg s6  }
0xb0: {  	[dreg:$0x4] =	wrdreg $0xC0  }
0xb1: {  	_ =	task [dreg:s8], $0x5FFFF  }
0xb2: {  	[dreg:$0x1] =	wrdreg $0xFFFFFFFF  }
0xb3: {  	[dreg:$0x0] =	wrdreg $0x60  }
0xb4: {  	[dreg:$0x2] =	wrdreg s24  }
0xb5: {  	[dreg:$0x3] =	wrdreg s16  }
0xb6: {  	[dreg:$0x4] =	wrdreg s17  }
0xb7: {  	[dreg:$0x5] =	wrdreg $0x98000  }
0xb8: {  	[dreg:$0x6] =	wrdreg $0x9  }
0xb9: {  	_ =	task.clear_ibuf [dreg:s8], $0x7FFFF;
	_ =	strace $0x9000004F  }
0xba: {  	s29 =	simm.s32 $0x9;
	_ =	strace $0x80000051  }
0xbb: {  	_ =	swait.ge [sflag:s29], $0x1  }
0xbc: {  	[sflag:s29] =	ssyncadd.s32 $0xFFFFFFFF  }
0xbd: {  	_ =	strace $0x90000051  }
0xbe: {  	_ =	sfence  }
0xbf: {  	s30 =	sld [smem:$0x0];
	_ =	sdelay $0x2  }
0xc0: {  	s31 =	sshll.u32 s1, $0xD;
	s1 =	sshrl.u32 s1, $0x2  }
0xc1: {  	s3 =	sand.u32 $0x4000, s31;
	s1 =	sadd.s32 s1, s30  }
0xc2: {  	s0 =	sor.u32 s3, s0;
	s1 =	sshll.u32 s1, $0x11  }
0xc3: {  	s0 =	sor.u32 s1, s0  }
0xc4: {  	s0 =	sadd.s32 $0x8F2B, s0  }
0xc5: {  	[sflag:s0] =	ssyncadd.remote.s32 $0x1  }
0xc6: {  	_ =	sfence.sel $0xFFFF  }
0xc7: {  	[dreg:$0x0] =	wrdreg $0xFFFFFFFF;
	(pc) =	sbr.abs _section_cstart, $3  }
0xc8: {  	[dreg:$0x1] =	wrdreg $0xFFFFFFFF  }
0xc9: {  	_ =	task.clear_ibuf [dreg:s8], $0x2FFFF;
	_ =	strace $0x9FFFFFFF  }
0xca: {  	(tm) =	ssettm $0x7FFFFFFF  }
0xcb: {  	_ =	shalt  }
tec
execute0_lowered:
.L_overlay_start_1:
0x0: {  	(tag) =	ssettag $0x1  }
0x1: {  	s6 =	rddreg [dreg:$0x0]  }
0x2: {  	s7 =	rddreg [dreg:$0x1]  }
0x3: {  	s8 =	rddreg [dreg:$0x2]  }
0x4: {  	s1 =	rddreg [dreg:$0x3]  }
0x5: {  	s2 =	srdreg.scid;
	s0 =	rddreg [dreg:$0x4];
	s3 =	simm.s32 $0x0  }
0x6: {  	s14 =	simm.s32 $0x80;
	s15 =	simm.s32 $0x5800;
	s16 =	simm.s32 $0x1  }
0x7: {  	s17 =	simm.s32 $0x0;
	s5 =	sand.u32 $0x1, s2;
	s2 =	stileid.u32  }
0x8: {  	[smem:$0x7FF] =	sst s3;
	s4 =	sadd.s32 $0x5600, s6;
	s9 =	smul.u32 $0x13C000, s5  }
0x9: {  	s10 =	smul.u32 $0x13C00, s2;
	s11 =	sshll.u32 s2, $0x1;
	_ =	strace $0x80000050  }
0xa: {  	s29 =	ssub.s32 $0x2, s5;
	s13 =	smul.u32 $0x4F000, s2;
	s31 =	sshll.u32 s2, $0x6  }
0xb: {  	s11 =	sor.u32 s5, s11;
	s12 =	sshrl.u32 s29, $0x1;
	s5 =	sadd.s32 $0x2E00, s6  }
0xc: {  	s9 =	sadd.s32 s10, s9;
	s11 =	smul.u32 $0x580, s11;
	s10 =	ssub.s32 s29, s12  }
0xd: {  	s30 =	sshrl.u32 s13, $0x2;
	s12 =	sor.u32 $0x1C02, s31;
	s9 =	sshrl.u32 s9, $0x3  }
0xe: {  	s13 =	sadd.s32 s30, s1;
	s9 =	sadd.s32 s9, s6;
	s6 =	sadd.s32 s7, s11  }
0xf: {  	s7 =	sadd.s32 s8, s11;
	s11 =	simm.s32 $0x2C00;
	s13 =	sshrl.u32 s13, $0x3  }
0x10: {  	s8 =	sadd.s32 $0x2CE00, s9;
	s9 =	smax.u32 s10, $0x1;
	s10 =	simm.s32 $0x2  }
.LBB2_1:
0x11: {  	[tilespmem:s3], [sflag:$0x2] =	stream.linear.gather [hbm4b:s6+s3], $0x2880, $0x38;
	[tilespmem:$0x1D400] =	vst v63  }
0x12: {  	_ =	swait.ge [sflag:s10], $0x2880  }
0x13: {  	[sflag:s10] =	ssyncset.done $0x0  }
0x14: {  	[sflag:s10] =	ssyncadd.s32 $0xFFFFD780  }
0x15: {  	[tilespmem:s11], [sflag:$0x2] =	stream.linear.gather [hbm4b:s7+s3], $0x2880, $0x38;
	[tilespmem:$0x1D400] =	vst v63  }
0x16: {  	_ =	swait.ge [sflag:s10], $0x2880  }
0x17: {  	[sflag:s10] =	ssyncset.done $0x0  }
0x18: {  	[sflag:s10] =	ssyncadd.s32 $0xFFFFD780  }
0x19: {  	[spmem:s13], [sflag:s12] =	dma.local [hbm:s5], $0x2780  }
0x1a: {  	_ =	swait.ge [sflag:s10], $0x2780  }
0x1b: {  	[sflag:s10] =	ssyncset.done $0x0  }
0x1c: {  	[sflag:s10] =	ssyncadd.s32 $0xFFFFD880  }
0x1d: {  	s18 =	simm.s32 $0x0;
	[bflag:$0x0] =	sbarrier.arrive $0xFFFF  }
0x1e: {  	[tilespmem:s15], [sflag:$0x1] =	stream.indirect.gather [hbm4b:s4+s14], $0x80, s18, s14, $0xb8;
	[tilespmem:$0x1D400] =	vst v63  }
0x1f: {  	_ =	swait.ge [sflag:s16], $0x4000  }
0x20: {  	[sflag:s16] =	ssyncset.done $0x0  }
0x21: {  	s31 =	simm.s32 $0x2C00;
	[sflag:s16] =	ssyncadd.s32 $0xFFFFC000  }
0x22: {  	[spmem:s1] =	stream.indirect.scatter.add.f32 [tilespmem:s15], [sflag:$0x2], $0x80, s31, s14, $0xb8;
	[tilespmem:$0x1D400] =	vst v63  }
0x23: {  	_ =	swait.ge [sflag:s10], $0x4000  }
0x24: {  	s19 =	simm.s32 $0x400;
	s18 =	simm.s32 $0x200;
	[sflag:s10] =	ssyncset.done $0x0  }
.LBB2_2:
0x25: {  	s20 =	sshra.s32 s18, $0x2  }
0x26: {  	[sflag:s10] =	ssyncadd.s32 $0xFFFFC000;
	s18 =	smov.u32 s19;
	s21 =	sadd.s32 $0x200, s19  }
0x27: {  	[tilespmem:s15], [sflag:$0x1] =	stream.indirect.gather [hbm4b:s4+s14], $0x80, s20, s14, $0xb8;
	[tilespmem:$0x1D400] =	vst v63  }
0x28: {  	p0 =	sne.s32 s19, $0xA000;
	_ =	swait.ge [sflag:s16], $0x4000  }
.Ltmp0:
0x29: {  	[sflag:s16] =	ssyncset.done $0x0;
	(pc) =	sbr.rel @p0 .LBB2_2-.Ltmp0, $4  }
0x2a: {  	s19 =	sadd.s32 $0x2C00, s20;
	[sflag:s16] =	ssyncadd.s32 $0xFFFFC000  }
0x2b: {  	[spmem:s1] =	stream.indirect.scatter.add.f32 [tilespmem:s15], [sflag:$0x2], $0x80, s19, s14, $0xb8;
	[tilespmem:$0x1D400] =	vst v63  }
0x2c: {  	_ =	swait.ge [sflag:s10], $0x4000  }
0x2d: {  	s19 =	smov.u32 s21;
	[sflag:s10] =	ssyncset.done $0x0  }
0x2e: {  	s18 =	sshra.s32 s18, $0x2;
	[sflag:s10] =	ssyncadd.s32 $0xFFFFC000  }
0x2f: {  	[tilespmem:s15], [sflag:$0x1] =	stream.indirect.gather [hbm4b:s4+s14], $0x80, s18, s14, $0xb8;
	[tilespmem:$0x1D400] =	vst v63  }
0x30: {  	_ =	swait.ge [sflag:s16], $0x4000  }
0x31: {  	[sflag:s16] =	ssyncset.done $0x0  }
0x32: {  	s18 =	sadd.s32 $0x2C00, s18;
	[sflag:s16] =	ssyncadd.s32 $0xFFFFC000  }
0x33: {  	[spmem:s1] =	stream.indirect.scatter.add.f32 [tilespmem:s15], [sflag:$0x2], $0x80, s18, s14, $0xb8;
	[tilespmem:$0x1D400] =	vst v63  }
0x34: {  	_ =	swait.ge [sflag:s10], $0x4000  }
0x35: {  	s17 =	sadd.s32 $0x1, s17;
	[sflag:s10] =	ssyncset.done $0x0  }
0x36: {  	p0 =	sne.s32 s17, s9;
	[sflag:s10] =	ssyncadd.s32 $0xFFFFC000  }
.Ltmp1:
0x37: {  	[bflag:$0x0] =	sbarrier.arrive $0xFFFF;
	(pc) =	sbr.rel @p0 .LBB2_1-.Ltmp1, $4  }
0x38: {  	[hbm:s8], [sflag:s12] =	dma.local [spmem:s13], $0x2780  }
0x39: {  	_ =	swait.ge [sflag:s10], $0x2780  }
0x3a: {  	[sflag:s10] =	ssyncset.done $0x0  }
0x3b: {  	[sflag:s10] =	ssyncadd.s32 $0xFFFFD880  }
0x3c: {  	_ =	sfence.sel $0x180000  }
0x3d: {  	[bflag:$0x0] =	sbarrier.arrive $0xFFFF  }
0x3e: {  	p0 =	sne.s32 s2, $0x0;
	_ =	strace $0x90000050  }
0x3f: {  	s0 =	sadd.s32 @!p0 $0x100000, s0;
	[bflag:$0x2] =	sbarrier.arrive $0xFFFF  }
0x40: {  	[sflag:s0] =	ssyncadd.tile.s32 @!p0 $0x1;
	_ =	shalt  }
.Lfunc_end2:
_tile_overlayer_lowered:
.L_overlay_start_2:
0x41: {  	(tag) =	ssettag $0x2  }
0x42: {  	s0 =	rddreg [dreg:$0x0];
	s2 =	stileid.u32  }
0x43: {  	s1 =	rddreg [dreg:$0x1];
	p0 =	sne.s32 s2, $0x0  }
0x44: {  	s3 =	rddreg [dreg:$0x2];
	[bflag:$0x3] =	sbarrier.arrive $0xFFFF;
	s2 =	simm.s32 @!p0 $0x1C02  }
0x45: {  	[timem:s3], [sflag:s2] =	dma.local @!p0 [hbm:s0], s1  }
0x46: {  	s0 =	simm.s32 @!p0 $0x2  }
0x47: {  	_ =	swait.ge @!p0 [sflag:s0], s1  }
0x48: {  	s1 =	ssub.s32 @!p0 $0x0, s1;
	[sflag:s0] =	ssyncset.done @!p0 $0x0  }
0x49: {  	[sflag:s0] =	ssyncadd.s32 @!p0 s1  }
0x4a: {  	[bflag:$0x3] =	sbarrier.arrive $0xFFFF  }
0x4b: {  	_ =	shalt  }

</sc_bundles>
